<compile_context>
chip_gen: v7x
topology: tpu7x:2x2x1
jax: 0.10.2.dev20260603
libtpu: 0.0.44.dev20260713+nightly
codegen_flags: <defaults>
</compile_context>

<pallas_src>
import functools

import jax
import jax.numpy as jnp
from jax import lax
from jax.experimental import pallas as pl
from jax.experimental.pallas import tpu as pltpu
from jax.experimental.pallas import tpu_sc as plsc

N_NODES = 10000
DIM = 128
N_EDGES = 320000
CHUNK = 128
CCH = 2 * -(-N_EDGES // (64 * CHUNK))
CH = CCH
E_PAD = 32 * CH * CHUNK
SH_N = 10240
AGG_N = SH_N
ARPS = AGG_N // 16
ROWS_PER_SUB = SH_N // 16
CNT_W = 128

_MESH = plsc.VectorSubcoreMesh(core_axis_name="c", subcore_axis_name="s")


def _sc_agg_body(z_hbm, zrows_hbm, src_hbm, dst_hbm, agg_out,
                 ei_v, rows0, g0, agg_sh):
    c = lax.axis_index("c")
    s = lax.axis_index("s")
    wid = s * 2 + c

    pltpu.sync_copy(zrows_hbm,
                    agg_sh.at[pl.ds(s * ARPS, ARPS)])

    pltpu.sync_copy(src_hbm.at[wid], ei_v.at[pl.ds(0, CH)])
    pltpu.sync_copy(dst_hbm.at[wid], ei_v.at[pl.ds(CH, CH)])
    plsc.subcore_barrier()

    def step(j, carry):
        pltpu.async_copy(z_hbm.at[ei_v.at[j]], rows0, g0).wait()
        pltpu.sync_copy(rows0, agg_sh.at[ei_v.at[CH + j]], add=True)
        return carry
    lax.fori_loop(0, CH, step, 0)
    plsc.subcore_barrier()

    base = s * ARPS
    pltpu.sync_copy(agg_sh.at[pl.ds(base, ARPS)],
                    agg_out.at[c, pl.ds(base, ARPS)])


_sc_agg = pl.kernel(
    _sc_agg_body,
    out_type=jax.ShapeDtypeStruct((2, AGG_N, DIM), jnp.float32),
    mesh=_MESH,
    scratch_types=[
        pltpu.VMEM((2 * CH, CHUNK), jnp.int32),
        pltpu.VMEM((CHUNK, DIM), jnp.float32),
        pltpu.SemaphoreType.DMA,
        pltpu.VMEM_SHARED((AGG_N, DIM), jnp.float32),
    ],
)


def _sc_count_body(dst_hbm, cnt_out, dst_v, ones_v, csem, cnt_sh):
    c = lax.axis_index("c")
    s = lax.axis_index("s")
    wid = s * 2 + c

    zero16 = jnp.zeros((16,), jnp.float32)
    one16 = jnp.ones((16,), jnp.float32)

    def fill(val):
        def row(i, carry):
            ones_v[i // 8, pl.ds((i % 8) * 16, 16)] = val
            return carry
        lax.fori_loop(0, CHUNK * 8, row, 0)

    fill(zero16)

    def zsh(t, carry):
        pltpu.sync_copy(ones_v, cnt_sh.at[pl.ds(s * ROWS_PER_SUB + t * CHUNK, CHUNK)])
        return carry
    lax.fori_loop(0, ROWS_PER_SUB // CHUNK, zsh, 0)
    fill(one16)

    pltpu.sync_copy(dst_hbm.at[wid], dst_v)
    plsc.subcore_barrier()

    def step(j, carry):
        pltpu.async_copy(ones_v, cnt_sh.at[dst_v.at[j]], csem, add=True)

        @pl.when(j >= 4)
        def _():
            pltpu.make_async_copy(ones_v, cnt_sh.at[dst_v.at[j]], csem).wait()
        return carry
    lax.fori_loop(0, CCH, step, 0)

    def drain(t, carry):
        pltpu.make_async_copy(ones_v, cnt_sh.at[dst_v.at[t]], csem).wait()
        return carry
    lax.fori_loop(0, 4, drain, 0)
    plsc.subcore_barrier()

    base = s * ROWS_PER_SUB
    pltpu.sync_copy(cnt_sh.at[pl.ds(base, ROWS_PER_SUB)],
                    cnt_out.at[c, pl.ds(base, ROWS_PER_SUB)])


_sc_count = pl.kernel(
    _sc_count_body,
    out_type=jax.ShapeDtypeStruct((2, SH_N, CNT_W), jnp.float32),
    mesh=_MESH,
    scratch_types=[
        pltpu.VMEM((CCH, CHUNK), jnp.int32),
        pltpu.VMEM((CHUNK, CNT_W), jnp.float32),
        pltpu.SemaphoreType.DMA,
        pltpu.VMEM_SHARED((SH_N, CNT_W), jnp.float32),
    ],
)


def _dense_body(relu, aggp, cntp, z, wl, wr, b, out):
    agg = aggp[0] + aggp[1]
    cnt = cntp[0, :, 0:1] + cntp[1, :, 0:1]
    mean = agg / jnp.maximum(cnt, 1.0)
    r = (jnp.dot(mean, wl[...], preferred_element_type=jnp.float32)
         + jnp.dot(z[...], wr[...], preferred_element_type=jnp.float32)
         + b[...])
    out[...] = jnp.maximum(r, 0.0) if relu else r


def _make_dense(relu):
    blk = AGG_N // 8
    return pl.pallas_call(
        functools.partial(_dense_body, relu),
        grid=(8,),
        in_specs=[
            pl.BlockSpec((2, blk, DIM), lambda i: (0, i, 0)),
            pl.BlockSpec((2, blk, CNT_W), lambda i: (0, i, 0)),
            pl.BlockSpec((blk, DIM), lambda i: (i, 0)),
            pl.BlockSpec((DIM, DIM), lambda i: (0, 0)),
            pl.BlockSpec((DIM, DIM), lambda i: (0, 0)),
            pl.BlockSpec((1, DIM), lambda i: (0, 0)),
        ],
        out_specs=[pl.BlockSpec((blk, DIM), lambda i: (i, 0))],
        out_shape=[jax.ShapeDtypeStruct((AGG_N, DIM), jnp.float32)],
    )


_dense_relu = _make_dense(True)
_dense_lin = _make_dense(False)


def kernel(x, edge_index, W1l, b1l, W1r, W2l, b2l, W2r):
    src = edge_index[0]
    dst = edge_index[1]
    pad = E_PAD - N_EDGES
    ar = jnp.arange(pad, dtype=jnp.int32)
    src_p = jnp.concatenate([src, ar % N_NODES])
    dst_p = jnp.concatenate([dst, N_NODES + ar % (SH_N - N_NODES)])
    src3 = src_p.reshape(32, CH, CHUNK)
    dst3 = dst_p.reshape(32, CH, CHUNK)
    xp = jnp.concatenate([x, jnp.zeros((SH_N - N_NODES, DIM), x.dtype)])
    zrows = jnp.zeros((ARPS, DIM), jnp.float32)

    cntp = _sc_count(dst3)
    aggp = _sc_agg(xp, zrows, src3, dst3)
    (h,) = _dense_relu(aggp, cntp, xp, W1l.T, W1r.T, b1l.reshape(1, DIM))
    aggp2 = _sc_agg(h, zrows, src3, dst3)
    (out,) = _dense_lin(aggp2, cntp, h, W2l.T, W2r.T, b2l.reshape(1, DIM))
    return out[:N_NODES]

# --- scband reference (transcript-rebuilt; emitter-appended) ---
"""Pipeline reference for scband-gnnencoder-7172595384376 (READ-ONLY COPY).

The authoritative reference and input builder live on the scoring server;
editing this copy changes nothing except your own understanding.
"""

import jax, jax.numpy as jnp
import numpy as np

N = 10000
E = 320000
D = 128
H = 128
O = 128


def setup_inputs(seed: int = 0) -> dict:
    key = jax.random.key(seed)
    ks = jax.random.split(key, 8)
    x = jax.random.normal(ks[0], (N, D), dtype=jnp.float32)
    edge_index = jax.random.randint(ks[1], (2, E), 0, N, dtype=jnp.int32)
    s_in = 1.0 / np.sqrt(D)
    s_h = 1.0 / np.sqrt(H)
    W1l = jax.random.normal(ks[2], (H, D), dtype=jnp.float32) * s_in
    b1l = jnp.zeros((H,), dtype=jnp.float32)
    W1r = jax.random.normal(ks[3], (H, D), dtype=jnp.float32) * s_in
    W2l = jax.random.normal(ks[4], (O, H), dtype=jnp.float32) * s_h
    b2l = jnp.zeros((O,), dtype=jnp.float32)
    W2r = jax.random.normal(ks[5], (O, H), dtype=jnp.float32) * s_h
    return {"x": x, "edge_index": edge_index, "W1l": W1l, "b1l": b1l, "W1r": W1r, "W2l": W2l, "b2l": b2l, "W2r": W2r}


def _sage_conv(x, edge_index, W_l, b_l, W_r):
    # PyG SAGEConv with mean aggregation:
    # out = lin_l(mean_{j in N(i)} x_j) + lin_r(x_i)
    src = edge_index[0]
    dst = edge_index[1]
    msgs = jnp.take(x, src, axis=0)
    agg = jax.ops.segment_sum(msgs, dst, num_segments=N)
    cnt = jax.ops.segment_sum(jnp.ones((E,), dtype=x.dtype), dst, num_segments=N)
    mean_agg = agg / jnp.clip(cnt, 1.0)[:, None]
    return mean_agg @ W_l.T + b_l + x @ W_r.T


def reference(x, edge_index, W1l, b1l, W1r, W2l, b2l, W2r):
    h = jax.nn.relu(_sage_conv(x, edge_index, W1l, b1l, W1r))
    out = _sage_conv(h, edge_index, W2l, b2l, W2r)
    return out

if __name__ == "__main__":
    import jax
    _d = setup_inputs()
    print(jax.jit(kernel)(*tuple(_d.values())))

</pallas_src>

<mosaic_0001>
#map = affine_map<(d0, d1) -> (0, 0)>
#map1 = affine_map<(d0, d1) -> (0, 0, 0)>
module attributes {stable_mosaic.version = 14 : i64} {
  func.func @_sc_agg_body(%arg0: i32, %arg1: i32, %arg2: memref<10240x128xf32, #tpu.memory_space<hbm>>, %arg3: memref<640x128xf32, #tpu.memory_space<hbm>>, %arg4: memref<32x80x128xi32, #tpu.memory_space<hbm>>, %arg5: memref<32x80x128xi32, #tpu.memory_space<hbm>>, %arg6: memref<2x10240x128xf32, #tpu.memory_space<hbm>>, %arg7: memref<160x128xi32, #tpu.memory_space<vmem>>, %arg8: memref<128x128xf32, #tpu.memory_space<vmem>>, %arg9: memref<!tpu.dma_semaphore, #tpu.memory_space<semaphore_mem>>, %arg10: memref<10240x128xf32, #tpu.memory_space<vmem_shared>>) attributes {dimension_semantics = [#tpu.dimension_semantics<core_parallel>, #tpu.dimension_semantics<subcore_parallel>], iteration_bounds = array<i64: 2, 16>, scalar_prefetch = 0 : i64, scratch_operands = 4 : i64, tpu.core_type = #tpu.core_type<sc_vector_subcore>, window_params = [{transform_indices = #map}, {transform_indices = #map}, {transform_indices = #map1}, {transform_indices = #map1}, {transform_indices = #map1}]} {
    %mul3A = arith.constant 2 : i32
    %mul3A_0 = arith.muli %arg1, %mul3A : i32
    %add3A = arith.addi %mul3A_0, %arg0 : i32
    %mul3A_1 = arith.constant 640 : i32
    %mul3A_2 = arith.muli %arg1, %mul3A_1 : i32
    "tpu.region"() ({
      %run_scoped3A = tpu.sem_alloc : memref<!tpu.dma_semaphore, #tpu.memory_space<semaphore_mem>>
      %dma_start3A = arith.constant 0 : i32
      %dma_start3A_11 = tpu.memref_slice %arg10[%mul3A_2, %dma_start3A] : memref<10240x128xf32, #tpu.memory_space<vmem_shared>> -> memref<640x128xf32, #tpu.memory_space<vmem_shared>>
      tpu.enqueue_dma source(%arg3 : memref<640x128xf32, #tpu.memory_space<hbm>>) target(%dma_start3A_11 : memref<640x128xf32, #tpu.memory_space<vmem_shared>>) target_semaphore(%run_scoped3A : memref<!tpu.dma_semaphore, #tpu.memory_space<semaphore_mem>>)
      %dma_wait3A = arith.constant 0 : i32
      %dma_wait3A_12 = tpu.memref_slice %arg10[%mul3A_2, %dma_wait3A] : memref<10240x128xf32, #tpu.memory_space<vmem_shared>> -> memref<640x128xf32, #tpu.memory_space<vmem_shared>>
      tpu.wait_dma2 semaphore(%run_scoped3A : memref<!tpu.dma_semaphore, #tpu.memory_space<semaphore_mem>>) src(%arg3 : memref<640x128xf32, #tpu.memory_space<hbm>>) dst(%dma_wait3A_12 : memref<640x128xf32, #tpu.memory_space<vmem_shared>>)
      tpu.yield
    }) : () -> ()
    "tpu.region"() ({
      %run_scoped3A = tpu.sem_alloc : memref<!tpu.dma_semaphore, #tpu.memory_space<semaphore_mem>>
      %dma_start3A = arith.constant 0 : i32
      %dma_start3A_11 = arith.constant 0 : i32
      %dma_start3A_12 = tpu.memref_slice %arg7[%dma_start3A, %dma_start3A_11] : memref<160x128xi32, #tpu.memory_space<vmem>> -> memref<80x128xi32, #tpu.memory_space<vmem>>
      %dma_start3A_13 = arith.constant 0 : i32
      %dma_start3A_14 = arith.constant 0 : i32
      %dma_start3A_15 = tpu.memref_slice %arg4[%add3A, %dma_start3A_13, %dma_start3A_14] : memref<32x80x128xi32, #tpu.memory_space<hbm>> -> memref<1x80x128xi32, #tpu.memory_space<hbm>>
      %dma_start3A_16 = tpu.memref_squeeze %dma_start3A_15 : memref<1x80x128xi32, #tpu.memory_space<hbm>> -> memref<80x128xi32, #tpu.memory_space<hbm>>
      %dma_start3A_17 = arith.constant 0 : i32
      %dma_start3A_18 = arith.constant 0 : i32
      %dma_start3A_19 = tpu.memref_slice %arg7[%dma_start3A_17, %dma_start3A_18] : memref<160x128xi32, #tpu.memory_space<vmem>> -> memref<80x128xi32, #tpu.memory_space<vmem>>
      %dma_start3A_20 = arith.constant 0 : i32
      %dma_start3A_21 = arith.constant 0 : i32
      %dma_start3A_22 = tpu.memref_slice %arg4[%add3A, %dma_start3A_20, %dma_start3A_21] : memref<32x80x128xi32, #tpu.memory_space<hbm>> -> memref<1x80x128xi32, #tpu.memory_space<hbm>>
      %dma_start3A_23 = tpu.memref_squeeze %dma_start3A_22 : memref<1x80x128xi32, #tpu.memory_space<hbm>> -> memref<80x128xi32, #tpu.memory_space<hbm>>
      tpu.enqueue_dma source(%dma_start3A_23 : memref<80x128xi32, #tpu.memory_space<hbm>>) target(%dma_start3A_19 : memref<80x128xi32, #tpu.memory_space<vmem>>) target_semaphore(%run_scoped3A : memref<!tpu.dma_semaphore, #tpu.memory_space<semaphore_mem>>)
      %dma_wait3A = arith.constant 0 : i32
      %dma_wait3A_24 = arith.constant 0 : i32
      %dma_wait3A_25 = tpu.memref_slice %arg7[%dma_wait3A, %dma_wait3A_24] : memref<160x128xi32, #tpu.memory_space<vmem>> -> memref<80x128xi32, #tpu.memory_space<vmem>>
      %dma_wait3A_26 = arith.constant 0 : i32
      %dma_wait3A_27 = arith.constant 0 : i32
      %dma_wait3A_28 = tpu.memref_slice %arg4[%add3A, %dma_wait3A_26, %dma_wait3A_27] : memref<32x80x128xi32, #tpu.memory_space<hbm>> -> memref<1x80x128xi32, #tpu.memory_space<hbm>>
      %dma_wait3A_29 = tpu.memref_squeeze %dma_wait3A_28 : memref<1x80x128xi32, #tpu.memory_space<hbm>> -> memref<80x128xi32, #tpu.memory_space<hbm>>
      %dma_wait3A_30 = arith.constant 0 : i32
      %dma_wait3A_31 = arith.constant 0 : i32
      %dma_wait3A_32 = tpu.memref_slice %arg7[%dma_wait3A_30, %dma_wait3A_31] : memref<160x128xi32, #tpu.memory_space<vmem>> -> memref<80x128xi32, #tpu.memory_space<vmem>>
      %dma_wait3A_33 = arith.constant 0 : i32
      %dma_wait3A_34 = arith.constant 0 : i32
      %dma_wait3A_35 = tpu.memref_slice %arg4[%add3A, %dma_wait3A_33, %dma_wait3A_34] : memref<32x80x128xi32, #tpu.memory_space<hbm>> -> memref<1x80x128xi32, #tpu.memory_space<hbm>>
      %dma_wait3A_36 = tpu.memref_squeeze %dma_wait3A_35 : memref<1x80x128xi32, #tpu.memory_space<hbm>> -> memref<80x128xi32, #tpu.memory_space<hbm>>
      tpu.wait_dma2 semaphore(%run_scoped3A : memref<!tpu.dma_semaphore, #tpu.memory_space<semaphore_mem>>) src(%dma_wait3A_36 : memref<80x128xi32, #tpu.memory_space<hbm>>) dst(%dma_wait3A_32 : memref<80x128xi32, #tpu.memory_space<vmem>>)
      tpu.yield
    }) : () -> ()
    "tpu.region"() ({
      %run_scoped3A = tpu.sem_alloc : memref<!tpu.dma_semaphore, #tpu.memory_space<semaphore_mem>>
      %dma_start3A = arith.constant 80 : i32
      %dma_start3A_11 = arith.constant 0 : i32
      %dma_start3A_12 = tpu.memref_slice %arg7[%dma_start3A, %dma_start3A_11] : memref<160x128xi32, #tpu.memory_space<vmem>> -> memref<80x128xi32, #tpu.memory_space<vmem>>
      %dma_start3A_13 = arith.constant 0 : i32
      %dma_start3A_14 = arith.constant 0 : i32
      %dma_start3A_15 = tpu.memref_slice %arg5[%add3A, %dma_start3A_13, %dma_start3A_14] : memref<32x80x128xi32, #tpu.memory_space<hbm>> -> memref<1x80x128xi32, #tpu.memory_space<hbm>>
      %dma_start3A_16 = tpu.memref_squeeze %dma_start3A_15 : memref<1x80x128xi32, #tpu.memory_space<hbm>> -> memref<80x128xi32, #tpu.memory_space<hbm>>
      %dma_start3A_17 = arith.constant 80 : i32
      %dma_start3A_18 = arith.constant 0 : i32
      %dma_start3A_19 = tpu.memref_slice %arg7[%dma_start3A_17, %dma_start3A_18] : memref<160x128xi32, #tpu.memory_space<vmem>> -> memref<80x128xi32, #tpu.memory_space<vmem>>
      %dma_start3A_20 = arith.constant 0 : i32
      %dma_start3A_21 = arith.constant 0 : i32
      %dma_start3A_22 = tpu.memref_slice %arg5[%add3A, %dma_start3A_20, %dma_start3A_21] : memref<32x80x128xi32, #tpu.memory_space<hbm>> -> memref<1x80x128xi32, #tpu.memory_space<hbm>>
      %dma_start3A_23 = tpu.memref_squeeze %dma_start3A_22 : memref<1x80x128xi32, #tpu.memory_space<hbm>> -> memref<80x128xi32, #tpu.memory_space<hbm>>
      tpu.enqueue_dma source(%dma_start3A_23 : memref<80x128xi32, #tpu.memory_space<hbm>>) target(%dma_start3A_19 : memref<80x128xi32, #tpu.memory_space<vmem>>) target_semaphore(%run_scoped3A : memref<!tpu.dma_semaphore, #tpu.memory_space<semaphore_mem>>)
      %dma_wait3A = arith.constant 80 : i32
      %dma_wait3A_24 = arith.constant 0 : i32
      %dma_wait3A_25 = tpu.memref_slice %arg7[%dma_wait3A, %dma_wait3A_24] : memref<160x128xi32, #tpu.memory_space<vmem>> -> memref<80x128xi32, #tpu.memory_space<vmem>>
      %dma_wait3A_26 = arith.constant 0 : i32
      %dma_wait3A_27 = arith.constant 0 : i32
      %dma_wait3A_28 = tpu.memref_slice %arg5[%add3A, %dma_wait3A_26, %dma_wait3A_27] : memref<32x80x128xi32, #tpu.memory_space<hbm>> -> memref<1x80x128xi32, #tpu.memory_space<hbm>>
      %dma_wait3A_29 = tpu.memref_squeeze %dma_wait3A_28 : memref<1x80x128xi32, #tpu.memory_space<hbm>> -> memref<80x128xi32, #tpu.memory_space<hbm>>
      %dma_wait3A_30 = arith.constant 80 : i32
      %dma_wait3A_31 = arith.constant 0 : i32
      %dma_wait3A_32 = tpu.memref_slice %arg7[%dma_wait3A_30, %dma_wait3A_31] : memref<160x128xi32, #tpu.memory_space<vmem>> -> memref<80x128xi32, #tpu.memory_space<vmem>>
      %dma_wait3A_33 = arith.constant 0 : i32
      %dma_wait3A_34 = arith.constant 0 : i32
      %dma_wait3A_35 = tpu.memref_slice %arg5[%add3A, %dma_wait3A_33, %dma_wait3A_34] : memref<32x80x128xi32, #tpu.memory_space<hbm>> -> memref<1x80x128xi32, #tpu.memory_space<hbm>>
      %dma_wait3A_36 = tpu.memref_squeeze %dma_wait3A_35 : memref<1x80x128xi32, #tpu.memory_space<hbm>> -> memref<80x128xi32, #tpu.memory_space<hbm>>
      tpu.wait_dma2 semaphore(%run_scoped3A : memref<!tpu.dma_semaphore, #tpu.memory_space<semaphore_mem>>) src(%dma_wait3A_36 : memref<80x128xi32, #tpu.memory_space<hbm>>) dst(%dma_wait3A_32 : memref<80x128xi32, #tpu.memory_space<vmem>>)
      tpu.yield
    }) : () -> ()
    %barrier3A = arith.constant 0 : index
    tpu.barrier barrier_id(%barrier3A)
    %scan3A = arith.constant 0 : i32
    %scan3A_3 = arith.constant 0 : i32
    %scan3A_4 = arith.constant 80 : i32
    %scan3A_5 = arith.addi %scan3A_3, %scan3A_4 : i32
    %scan3A_6 = arith.constant 1 : i32
    scf.for %scan3A_11 = %scan3A_3 to %scan3A_5 step %scan3A_6  : i32 {
      %dma_start3A = arith.constant 0 : i32
      %dma_start3A_12 = tpu.memref_slice %arg7[%scan3A_11, %dma_start3A] : memref<160x128xi32, #tpu.memory_space<vmem>> -> memref<1x128xi32, #tpu.memory_space<vmem>>
      %dma_start3A_13 = tpu.memref_squeeze %dma_start3A_12 : memref<1x128xi32, #tpu.memory_space<vmem>> -> memref<128xi32, #tpu.memory_space<vmem>>
      %dma_start3A_14 = arith.constant 0 : i32
      %dma_start3A_15 = arith.constant 0 : i32
      %dma_start3A_16 = tpu.memref_slice %arg2[%dma_start3A_14, %dma_start3A_15] : memref<10240x128xf32, #tpu.memory_space<hbm>> -> memref<10240x128xf32, #tpu.memory_space<hbm>>
      tpu.enqueue_indirect_dma source(%dma_start3A_16 : memref<10240x128xf32, #tpu.memory_space<hbm>>) target(%arg8 : memref<128x128xf32, #tpu.memory_space<vmem>>) offsets(%dma_start3A_13 : memref<128xi32, #tpu.memory_space<vmem>>) semaphore(%arg9 : memref<!tpu.dma_semaphore, #tpu.memory_space<semaphore_mem>>)
      %dma_wait3A = arith.constant 0 : i32
      %dma_wait3A_17 = tpu.memref_slice %arg7[%scan3A_11, %dma_wait3A] : memref<160x128xi32, #tpu.memory_space<vmem>> -> memref<1x128xi32, #tpu.memory_space<vmem>>
      %dma_wait3A_18 = tpu.memref_squeeze %dma_wait3A_17 : memref<1x128xi32, #tpu.memory_space<vmem>> -> memref<128xi32, #tpu.memory_space<vmem>>
      %dma_wait3A_19 = arith.constant 0 : i32
      %dma_wait3A_20 = arith.constant 0 : i32
      %dma_wait3A_21 = tpu.memref_slice %arg2[%dma_wait3A_19, %dma_wait3A_20] : memref<10240x128xf32, #tpu.memory_space<hbm>> -> memref<10240x128xf32, #tpu.memory_space<hbm>>
      tpu.wait_indirect_dma semaphore(%arg9 : memref<!tpu.dma_semaphore, #tpu.memory_space<semaphore_mem>>) src(%dma_wait3A_21 : memref<10240x128xf32, #tpu.memory_space<hbm>>) dst(%arg8 : memref<128x128xf32, #tpu.memory_space<vmem>>)
      %add3A_22 = arith.constant 80 : i32
      %add3A_23 = arith.addi %add3A_22, %scan3A_11 : i32
      "tpu.region"() ({
        %run_scoped3A = tpu.sem_alloc : memref<!tpu.dma_semaphore, #tpu.memory_space<semaphore_mem>>
        %dma_start3A_24 = arith.constant 0 : i32
        %dma_start3A_25 = tpu.memref_slice %arg7[%add3A_23, %dma_start3A_24] : memref<160x128xi32, #tpu.memory_space<vmem>> -> memref<1x128xi32, #tpu.memory_space<vmem>>
        %dma_start3A_26 = tpu.memref_squeeze %dma_start3A_25 : memref<1x128xi32, #tpu.memory_space<vmem>> -> memref<128xi32, #tpu.memory_space<vmem>>
        %dma_start3A_27 = arith.constant 0 : i32
        %dma_start3A_28 = arith.constant 0 : i32
        %dma_start3A_29 = tpu.memref_slice %arg10[%dma_start3A_27, %dma_start3A_28] : memref<10240x128xf32, #tpu.memory_space<vmem_shared>> -> memref<10240x128xf32, #tpu.memory_space<vmem_shared>>
        tpu.enqueue_indirect_dma source(%arg8 : memref<128x128xf32, #tpu.memory_space<vmem>>) target(%dma_start3A_29 : memref<10240x128xf32, #tpu.memory_space<vmem_shared>>) offsets(%dma_start3A_26 : memref<128xi32, #tpu.memory_space<vmem>>) semaphore(%run_scoped3A : memref<!tpu.dma_semaphore, #tpu.memory_space<semaphore_mem>>) {add = true}
        %dma_wait3A_30 = arith.constant 0 : i32
        %dma_wait3A_31 = tpu.memref_slice %arg7[%add3A_23, %dma_wait3A_30] : memref<160x128xi32, #tpu.memory_space<vmem>> -> memref<1x128xi32, #tpu.memory_space<vmem>>
        %dma_wait3A_32 = tpu.memref_squeeze %dma_wait3A_31 : memref<1x128xi32, #tpu.memory_space<vmem>> -> memref<128xi32, #tpu.memory_space<vmem>>
        %dma_wait3A_33 = arith.constant 0 : i32
        %dma_wait3A_34 = arith.constant 0 : i32
        %dma_wait3A_35 = tpu.memref_slice %arg10[%dma_wait3A_33, %dma_wait3A_34] : memref<10240x128xf32, #tpu.memory_space<vmem_shared>> -> memref<10240x128xf32, #tpu.memory_space<vmem_shared>>
        tpu.wait_indirect_dma semaphore(%run_scoped3A : memref<!tpu.dma_semaphore, #tpu.memory_space<semaphore_mem>>) src(%arg8 : memref<128x128xf32, #tpu.memory_space<vmem>>) dst(%dma_wait3A_35 : memref<10240x128xf32, #tpu.memory_space<vmem_shared>>)
        tpu.yield
      }) : () -> ()
    }
    %scan3A_7 = arith.constant 80 : i32
    %barrier3A_8 = arith.constant 0 : index
    tpu.barrier barrier_id(%barrier3A_8)
    %mul3A_9 = arith.constant 640 : i32
    %mul3A_10 = arith.muli %arg1, %mul3A_9 : i32
    "tpu.region"() ({
      %run_scoped3A = tpu.sem_alloc : memref<!tpu.dma_semaphore, #tpu.memory_space<semaphore_mem>>
      %dma_start3A = arith.constant 0 : i32
      %dma_start3A_11 = tpu.memref_slice %arg6[%arg0, %mul3A_10, %dma_start3A] : memref<2x10240x128xf32, #tpu.memory_space<hbm>> -> memref<1x640x128xf32, #tpu.memory_space<hbm>>
      %dma_start3A_12 = tpu.memref_squeeze %dma_start3A_11 : memref<1x640x128xf32, #tpu.memory_space<hbm>> -> memref<640x128xf32, #tpu.memory_space<hbm>>
      %dma_start3A_13 = arith.constant 0 : i32
      %dma_start3A_14 = tpu.memref_slice %arg10[%mul3A_10, %dma_start3A_13] : memref<10240x128xf32, #tpu.memory_space<vmem_shared>> -> memref<640x128xf32, #tpu.memory_space<vmem_shared>>
      tpu.enqueue_dma source(%dma_start3A_14 : memref<640x128xf32, #tpu.memory_space<vmem_shared>>) target(%dma_start3A_12 : memref<640x128xf32, #tpu.memory_space<hbm>>) target_semaphore(%run_scoped3A : memref<!tpu.dma_semaphore, #tpu.memory_space<semaphore_mem>>)
      %dma_wait3A = arith.constant 0 : i32
      %dma_wait3A_15 = tpu.memref_slice %arg6[%arg0, %mul3A_10, %dma_wait3A] : memref<2x10240x128xf32, #tpu.memory_space<hbm>> -> memref<1x640x128xf32, #tpu.memory_space<hbm>>
      %dma_wait3A_16 = tpu.memref_squeeze %dma_wait3A_15 : memref<1x640x128xf32, #tpu.memory_space<hbm>> -> memref<640x128xf32, #tpu.memory_space<hbm>>
      %dma_wait3A_17 = arith.constant 0 : i32
      %dma_wait3A_18 = tpu.memref_slice %arg10[%mul3A_10, %dma_wait3A_17] : memref<10240x128xf32, #tpu.memory_space<vmem_shared>> -> memref<640x128xf32, #tpu.memory_space<vmem_shared>>
      tpu.wait_dma2 semaphore(%run_scoped3A : memref<!tpu.dma_semaphore, #tpu.memory_space<semaphore_mem>>) src(%dma_wait3A_18 : memref<640x128xf32, #tpu.memory_space<vmem_shared>>) dst(%dma_wait3A_16 : memref<640x128xf32, #tpu.memory_space<hbm>>)
      tpu.yield
    }) : () -> ()
    return
  }
}

#map = affine_map<(d0, d1) -> (0, 0, 0)>
module attributes {stable_mosaic.version = 14 : i64} {
  func.func @_sc_count_body(%arg0: i32, %arg1: i32, %arg2: memref<32x80x128xi32, #tpu.memory_space<hbm>>, %arg3: memref<2x10240x128xf32, #tpu.memory_space<hbm>>, %arg4: memref<80x128xi32, #tpu.memory_space<vmem>>, %arg5: memref<128x128xf32, #tpu.memory_space<vmem>>, %arg6: memref<!tpu.dma_semaphore, #tpu.memory_space<semaphore_mem>>, %arg7: memref<10240x128xf32, #tpu.memory_space<vmem_shared>>) attributes {dimension_semantics = [#tpu.dimension_semantics<core_parallel>, #tpu.dimension_semantics<subcore_parallel>], iteration_bounds = array<i64: 2, 16>, scalar_prefetch = 0 : i64, scratch_operands = 4 : i64, tpu.core_type = #tpu.core_type<sc_vector_subcore>, window_params = [{transform_indices = #map}, {transform_indices = #map}]} {
    %mul3A = arith.constant 2 : i32
    %mul3A_0 = arith.muli %arg1, %mul3A : i32
    %add3A = arith.addi %mul3A_0, %arg0 : i32
    %broadcast_in_dim3A = arith.constant 0.000000e+00 : f32
    %broadcast_in_dim3A_1 = vector.broadcast %broadcast_in_dim3A : f32 to vector<16xf32>
    %broadcast_in_dim3A_2 = arith.constant 1.000000e+00 : f32
    %broadcast_in_dim3A_3 = vector.broadcast %broadcast_in_dim3A_2 : f32 to vector<16xf32>
    %scan3A = arith.constant 0 : i32
    %scan3A_4 = arith.constant 0 : i32
    %scan3A_5 = arith.constant 1024 : i32
    %scan3A_6 = arith.addi %scan3A_4, %scan3A_5 : i32
    %scan3A_7 = arith.constant 1 : i32
    scf.for %scan3A_36 = %scan3A_4 to %scan3A_6 step %scan3A_7  : i32 {
      %jit3A = arith.constant 8 : i32
      %div3A = arith.divsi %scan3A_36, %jit3A : i32
      %sign3A = arith.constant 0 : i32
      %sign3A_37 = arith.cmpi sgt, %scan3A_36, %sign3A : i32
      %sign3A_38 = arith.extui %sign3A_37 : i1 to i32
      %sign3A_39 = arith.constant 0 : i32
      %sign3A_40 = arith.cmpi slt, %scan3A_36, %sign3A_39 : i32
      %sign3A_41 = arith.extui %sign3A_40 : i1 to i32
      %sign3A_42 = arith.subi %sign3A_38, %sign3A_41 : i32
      %sign3A_43 = arith.constant 0 : i32
      %sign3A_44 = arith.cmpi sgt, %jit3A, %sign3A_43 : i32
      %sign3A_45 = arith.extui %sign3A_44 : i1 to i32
      %sign3A_46 = arith.constant 0 : i32
      %sign3A_47 = arith.cmpi slt, %jit3A, %sign3A_46 : i32
      %sign3A_48 = arith.extui %sign3A_47 : i1 to i32
      %sign3A_49 = arith.subi %sign3A_45, %sign3A_48 : i32
      %ne3A = arith.cmpi ne, %sign3A_42, %sign3A_49 : i32
      %rem3A = arith.remsi %scan3A_36, %jit3A : i32
      %ne3A_50 = arith.constant 0 : i32
      %ne3A_51 = arith.cmpi ne, %rem3A, %ne3A_50 : i32
      %and3A = arith.andi %ne3A, %ne3A_51 : i1
      %sub3A = arith.constant 1 : i32
      %sub3A_52 = arith.subi %div3A, %sub3A : i32
      %select_n3A = arith.select %and3A, %sub3A_52, %div3A : i32
      %jit3A_53 = arith.constant 8 : i32
      %eq3A = arith.constant 0 : i32
      %eq3A_54 = arith.cmpi eq, %jit3A_53, %eq3A : i32
      %jit3A_55 = arith.constant 1 : i32
      %select_n3A_56 = arith.select %eq3A_54, %jit3A_55, %jit3A_53 : i32
      %rem3A_57 = arith.remsi %scan3A_36, %select_n3A_56 : i32
      %ne3A_58 = arith.constant 0 : i32
      %ne3A_59 = arith.cmpi ne, %rem3A_57, %ne3A_58 : i32
      %lt3A = arith.constant 0 : i32
      %lt3A_60 = arith.cmpi slt, %rem3A_57, %lt3A : i32
      %lt3A_61 = arith.constant 0 : i32
      %lt3A_62 = arith.cmpi slt, %select_n3A_56, %lt3A_61 : i32
      %ne3A_63 = arith.xori %lt3A_60, %lt3A_62 : i1
      %and3A_64 = arith.andi %ne3A_63, %ne3A_59 : i1
      %add3A_65 = arith.addi %rem3A_57, %select_n3A_56 : i32
      %select_n3A_66 = arith.select %and3A_64, %add3A_65, %rem3A_57 : i32
      %mul3A_67 = arith.constant 16 : i32
      %mul3A_68 = arith.muli %select_n3A_66, %mul3A_67 : i32
      %swap3A = arith.index_cast %select_n3A : i32 to index
      %swap3A_69 = arith.index_cast %mul3A_68 : i32 to index
      %swap3A_70 = tpu.vector_load %arg5[%swap3A, %swap3A_69] {strides = array<i32>} : memref<128x128xf32, #tpu.memory_space<vmem>>, vector<1x16xf32>,
      %swap3A_71 = vector.shape_cast %swap3A_70 : vector<1x16xf32> to vector<16xf32>
      %swap3A_72 = vector.shape_cast %broadcast_in_dim3A_1 : vector<16xf32> to vector<1x16xf32>
      tpu.vector_store %arg5[%swap3A, %swap3A_69], %swap3A_72 {strides = array<i32>} : memref<128x128xf32, #tpu.memory_space<vmem>>, vector<1x16xf32>,
    }
    %scan3A_8 = arith.constant 1024 : i32
    %scan3A_9 = arith.constant 0 : i32
    %scan3A_10 = arith.constant 0 : i32
    %scan3A_11 = arith.constant 5 : i32
    %scan3A_12 = arith.addi %scan3A_10, %scan3A_11 : i32
    %scan3A_13 = arith.constant 1 : i32
    scf.for %scan3A_36 = %scan3A_10 to %scan3A_12 step %scan3A_13  : i32 {
      %mul3A_37 = arith.constant 640 : i32
      %mul3A_38 = arith.muli %arg1, %mul3A_37 : i32
      %mul3A_39 = arith.constant 128 : i32
      %mul3A_40 = arith.muli %scan3A_36, %mul3A_39 : i32
      %add3A_41 = arith.addi %mul3A_38, %mul3A_40 : i32
      "tpu.region"() ({
        %run_scoped3A = tpu.sem_alloc : memref<!tpu.dma_semaphore, #tpu.memory_space<semaphore_mem>>
        %dma_start3A = arith.constant 0 : i32
        %dma_start3A_42 = tpu.memref_slice %arg7[%add3A_41, %dma_start3A] : memref<10240x128xf32, #tpu.memory_space<vmem_shared>> -> memref<128x128xf32, #tpu.memory_space<vmem_shared>>
        %dma_start3A_43 = arith.constant 0 : i32
        %dma_start3A_44 = tpu.memref_slice %arg7[%add3A_41, %dma_start3A_43] : memref<10240x128xf32, #tpu.memory_space<vmem_shared>> -> memref<128x128xf32, #tpu.memory_space<vmem_shared>>
        tpu.enqueue_dma source(%arg5 : memref<128x128xf32, #tpu.memory_space<vmem>>) target(%dma_start3A_44 : memref<128x128xf32, #tpu.memory_space<vmem_shared>>) target_semaphore(%run_scoped3A : memref<!tpu.dma_semaphore, #tpu.memory_space<semaphore_mem>>)
        %dma_wait3A = arith.constant 0 : i32
        %dma_wait3A_45 = tpu.memref_slice %arg7[%add3A_41, %dma_wait3A] : memref<10240x128xf32, #tpu.memory_space<vmem_shared>> -> memref<128x128xf32, #tpu.memory_space<vmem_shared>>
        %dma_wait3A_46 = arith.constant 0 : i32
        %dma_wait3A_47 = tpu.memref_slice %arg7[%add3A_41, %dma_wait3A_46] : memref<10240x128xf32, #tpu.memory_space<vmem_shared>> -> memref<128x128xf32, #tpu.memory_space<vmem_shared>>
        tpu.wait_dma2 semaphore(%run_scoped3A : memref<!tpu.dma_semaphore, #tpu.memory_space<semaphore_mem>>) src(%arg5 : memref<128x128xf32, #tpu.memory_space<vmem>>) dst(%dma_wait3A_47 : memref<128x128xf32, #tpu.memory_space<vmem_shared>>)
        tpu.yield
      }) : () -> ()
    }
    %scan3A_14 = arith.constant 5 : i32
    %scan3A_15 = arith.constant 0 : i32
    %scan3A_16 = arith.constant 0 : i32
    %scan3A_17 = arith.constant 1024 : i32
    %scan3A_18 = arith.addi %scan3A_16, %scan3A_17 : i32
    %scan3A_19 = arith.constant 1 : i32
    scf.for %scan3A_36 = %scan3A_16 to %scan3A_18 step %scan3A_19  : i32 {
      %jit3A = arith.constant 8 : i32
      %div3A = arith.divsi %scan3A_36, %jit3A : i32
      %sign3A = arith.constant 0 : i32
      %sign3A_37 = arith.cmpi sgt, %scan3A_36, %sign3A : i32
      %sign3A_38 = arith.extui %sign3A_37 : i1 to i32
      %sign3A_39 = arith.constant 0 : i32
      %sign3A_40 = arith.cmpi slt, %scan3A_36, %sign3A_39 : i32
      %sign3A_41 = arith.extui %sign3A_40 : i1 to i32
      %sign3A_42 = arith.subi %sign3A_38, %sign3A_41 : i32
      %sign3A_43 = arith.constant 0 : i32
      %sign3A_44 = arith.cmpi sgt, %jit3A, %sign3A_43 : i32
      %sign3A_45 = arith.extui %sign3A_44 : i1 to i32
      %sign3A_46 = arith.constant 0 : i32
      %sign3A_47 = arith.cmpi slt, %jit3A, %sign3A_46 : i32
      %sign3A_48 = arith.extui %sign3A_47 : i1 to i32
      %sign3A_49 = arith.subi %sign3A_45, %sign3A_48 : i32
      %ne3A = arith.cmpi ne, %sign3A_42, %sign3A_49 : i32
      %rem3A = arith.remsi %scan3A_36, %jit3A : i32
      %ne3A_50 = arith.constant 0 : i32
      %ne3A_51 = arith.cmpi ne, %rem3A, %ne3A_50 : i32
      %and3A = arith.andi %ne3A, %ne3A_51 : i1
      %sub3A = arith.constant 1 : i32
      %sub3A_52 = arith.subi %div3A, %sub3A : i32
      %select_n3A = arith.select %and3A, %sub3A_52, %div3A : i32
      %jit3A_53 = arith.constant 8 : i32
      %eq3A = arith.constant 0 : i32
      %eq3A_54 = arith.cmpi eq, %jit3A_53, %eq3A : i32
      %jit3A_55 = arith.constant 1 : i32
      %select_n3A_56 = arith.select %eq3A_54, %jit3A_55, %jit3A_53 : i32
      %rem3A_57 = arith.remsi %scan3A_36, %select_n3A_56 : i32
      %ne3A_58 = arith.constant 0 : i32
      %ne3A_59 = arith.cmpi ne, %rem3A_57, %ne3A_58 : i32
      %lt3A = arith.constant 0 : i32
      %lt3A_60 = arith.cmpi slt, %rem3A_57, %lt3A : i32
      %lt3A_61 = arith.constant 0 : i32
      %lt3A_62 = arith.cmpi slt, %select_n3A_56, %lt3A_61 : i32
      %ne3A_63 = arith.xori %lt3A_60, %lt3A_62 : i1
      %and3A_64 = arith.andi %ne3A_63, %ne3A_59 : i1
      %add3A_65 = arith.addi %rem3A_57, %select_n3A_56 : i32
      %select_n3A_66 = arith.select %and3A_64, %add3A_65, %rem3A_57 : i32
      %mul3A_67 = arith.constant 16 : i32
      %mul3A_68 = arith.muli %select_n3A_66, %mul3A_67 : i32
      %swap3A = arith.index_cast %select_n3A : i32 to index
      %swap3A_69 = arith.index_cast %mul3A_68 : i32 to index
      %swap3A_70 = tpu.vector_load %arg5[%swap3A, %swap3A_69] {strides = array<i32>} : memref<128x128xf32, #tpu.memory_space<vmem>>, vector<1x16xf32>,
      %swap3A_71 = vector.shape_cast %swap3A_70 : vector<1x16xf32> to vector<16xf32>
      %swap3A_72 = vector.shape_cast %broadcast_in_dim3A_3 : vector<16xf32> to vector<1x16xf32>
      tpu.vector_store %arg5[%swap3A, %swap3A_69], %swap3A_72 {strides = array<i32>} : memref<128x128xf32, #tpu.memory_space<vmem>>, vector<1x16xf32>,
    }
    %scan3A_20 = arith.constant 1024 : i32
    "tpu.region"() ({
      %run_scoped3A = tpu.sem_alloc : memref<!tpu.dma_semaphore, #tpu.memory_space<semaphore_mem>>
      %dma_start3A = arith.constant 0 : i32
      %dma_start3A_36 = arith.constant 0 : i32
      %dma_start3A_37 = tpu.memref_slice %arg2[%add3A, %dma_start3A, %dma_start3A_36] : memref<32x80x128xi32, #tpu.memory_space<hbm>> -> memref<1x80x128xi32, #tpu.memory_space<hbm>>
      %dma_start3A_38 = tpu.memref_squeeze %dma_start3A_37 : memref<1x80x128xi32, #tpu.memory_space<hbm>> -> memref<80x128xi32, #tpu.memory_space<hbm>>
      %dma_start3A_39 = arith.constant 0 : i32
      %dma_start3A_40 = arith.constant 0 : i32
      %dma_start3A_41 = tpu.memref_slice %arg2[%add3A, %dma_start3A_39, %dma_start3A_40] : memref<32x80x128xi32, #tpu.memory_space<hbm>> -> memref<1x80x128xi32, #tpu.memory_space<hbm>>
      %dma_start3A_42 = tpu.memref_squeeze %dma_start3A_41 : memref<1x80x128xi32, #tpu.memory_space<hbm>> -> memref<80x128xi32, #tpu.memory_space<hbm>>
      tpu.enqueue_dma source(%dma_start3A_42 : memref<80x128xi32, #tpu.memory_space<hbm>>) target(%arg4 : memref<80x128xi32, #tpu.memory_space<vmem>>) target_semaphore(%run_scoped3A : memref<!tpu.dma_semaphore, #tpu.memory_space<semaphore_mem>>)
      %dma_wait3A = arith.constant 0 : i32
      %dma_wait3A_43 = arith.constant 0 : i32
      %dma_wait3A_44 = tpu.memref_slice %arg2[%add3A, %dma_wait3A, %dma_wait3A_43] : memref<32x80x128xi32, #tpu.memory_space<hbm>> -> memref<1x80x128xi32, #tpu.memory_space<hbm>>
      %dma_wait3A_45 = tpu.memref_squeeze %dma_wait3A_44 : memref<1x80x128xi32, #tpu.memory_space<hbm>> -> memref<80x128xi32, #tpu.memory_space<hbm>>
      %dma_wait3A_46 = arith.constant 0 : i32
      %dma_wait3A_47 = arith.constant 0 : i32
      %dma_wait3A_48 = tpu.memref_slice %arg2[%add3A, %dma_wait3A_46, %dma_wait3A_47] : memref<32x80x128xi32, #tpu.memory_space<hbm>> -> memref<1x80x128xi32, #tpu.memory_space<hbm>>
      %dma_wait3A_49 = tpu.memref_squeeze %dma_wait3A_48 : memref<1x80x128xi32, #tpu.memory_space<hbm>> -> memref<80x128xi32, #tpu.memory_space<hbm>>
      tpu.wait_dma2 semaphore(%run_scoped3A : memref<!tpu.dma_semaphore, #tpu.memory_space<semaphore_mem>>) src(%dma_wait3A_49 : memref<80x128xi32, #tpu.memory_space<hbm>>) dst(%arg4 : memref<80x128xi32, #tpu.memory_space<vmem>>)
      tpu.yield
    }) : () -> ()
    %barrier3A = arith.constant 0 : index
    tpu.barrier barrier_id(%barrier3A)
    %scan3A_21 = arith.constant 0 : i32
    %scan3A_22 = arith.constant 0 : i32
    %scan3A_23 = arith.constant 80 : i32
    %scan3A_24 = arith.addi %scan3A_22, %scan3A_23 : i32
    %scan3A_25 = arith.constant 1 : i32
    scf.for %scan3A_36 = %scan3A_22 to %scan3A_24 step %scan3A_25  : i32 {
      %dma_start3A = arith.constant 0 : i32
      %dma_start3A_37 = tpu.memref_slice %arg4[%scan3A_36, %dma_start3A] : memref<80x128xi32, #tpu.memory_space<vmem>> -> memref<1x128xi32, #tpu.memory_space<vmem>>
      %dma_start3A_38 = tpu.memref_squeeze %dma_start3A_37 : memref<1x128xi32, #tpu.memory_space<vmem>> -> memref<128xi32, #tpu.memory_space<vmem>>
      %dma_start3A_39 = arith.constant 0 : i32
      %dma_start3A_40 = arith.constant 0 : i32
      %dma_start3A_41 = tpu.memref_slice %arg7[%dma_start3A_39, %dma_start3A_40] : memref<10240x128xf32, #tpu.memory_space<vmem_shared>> -> memref<10240x128xf32, #tpu.memory_space<vmem_shared>>
      tpu.enqueue_indirect_dma source(%arg5 : memref<128x128xf32, #tpu.memory_space<vmem>>) target(%dma_start3A_41 : memref<10240x128xf32, #tpu.memory_space<vmem_shared>>) offsets(%dma_start3A_38 : memref<128xi32, #tpu.memory_space<vmem>>) semaphore(%arg6 : memref<!tpu.dma_semaphore, #tpu.memory_space<semaphore_mem>>) {add = true}
      %ge3A = arith.constant 4 : i32
      %ge3A_42 = arith.cmpi sge, %scan3A_36, %ge3A : i32
      %convert_element_type3A = arith.extui %ge3A_42 : i1 to i32
      %cond3A = arith.constant 0 : i32
      %cond3A_43 = arith.cmpi ne, %convert_element_type3A, %cond3A : i32
      scf.if %cond3A_43 {
        %dma_wait3A = arith.constant 0 : i32
        %dma_wait3A_44 = tpu.memref_slice %arg4[%scan3A_36, %dma_wait3A] : memref<80x128xi32, #tpu.memory_space<vmem>> -> memref<1x128xi32, #tpu.memory_space<vmem>>
        %dma_wait3A_45 = tpu.memref_squeeze %dma_wait3A_44 : memref<1x128xi32, #tpu.memory_space<vmem>> -> memref<128xi32, #tpu.memory_space<vmem>>
        %dma_wait3A_46 = arith.constant 0 : i32
        %dma_wait3A_47 = arith.constant 0 : i32
        %dma_wait3A_48 = tpu.memref_slice %arg7[%dma_wait3A_46, %dma_wait3A_47] : memref<10240x128xf32, #tpu.memory_space<vmem_shared>> -> memref<10240x128xf32, #tpu.memory_space<vmem_shared>>
        tpu.wait_indirect_dma semaphore(%arg6 : memref<!tpu.dma_semaphore, #tpu.memory_space<semaphore_mem>>) src(%arg5 : memref<128x128xf32, #tpu.memory_space<vmem>>) dst(%dma_wait3A_48 : memref<10240x128xf32, #tpu.memory_space<vmem_shared>>)
      } else {
      }
    }
    %scan3A_26 = arith.constant 80 : i32
    %scan3A_27 = arith.constant 0 : i32
    %scan3A_28 = arith.constant 0 : i32
    %scan3A_29 = arith.constant 4 : i32
    %scan3A_30 = arith.addi %scan3A_28, %scan3A_29 : i32
    %scan3A_31 = arith.constant 1 : i32
    scf.for %scan3A_36 = %scan3A_28 to %scan3A_30 step %scan3A_31  : i32 {
      %dma_wait3A = arith.constant 0 : i32
      %dma_wait3A_37 = tpu.memref_slice %arg4[%scan3A_36, %dma_wait3A] : memref<80x128xi32, #tpu.memory_space<vmem>> -> memref<1x128xi32, #tpu.memory_space<vmem>>
      %dma_wait3A_38 = tpu.memref_squeeze %dma_wait3A_37 : memref<1x128xi32, #tpu.memory_space<vmem>> -> memref<128xi32, #tpu.memory_space<vmem>>
      %dma_wait3A_39 = arith.constant 0 : i32
      %dma_wait3A_40 = arith.constant 0 : i32
      %dma_wait3A_41 = tpu.memref_slice %arg7[%dma_wait3A_39, %dma_wait3A_40] : memref<10240x128xf32, #tpu.memory_space<vmem_shared>> -> memref<10240x128xf32, #tpu.memory_space<vmem_shared>>
      tpu.wait_indirect_dma semaphore(%arg6 : memref<!tpu.dma_semaphore, #tpu.memory_space<semaphore_mem>>) src(%arg5 : memref<128x128xf32, #tpu.memory_space<vmem>>) dst(%dma_wait3A_41 : memref<10240x128xf32, #tpu.memory_space<vmem_shared>>)
    }
    %scan3A_32 = arith.constant 4 : i32
    %barrier3A_33 = arith.constant 0 : index
    tpu.barrier barrier_id(%barrier3A_33)
    %mul3A_34 = arith.constant 640 : i32
    %mul3A_35 = arith.muli %arg1, %mul3A_34 : i32
    "tpu.region"() ({
      %run_scoped3A = tpu.sem_alloc : memref<!tpu.dma_semaphore, #tpu.memory_space<semaphore_mem>>
      %dma_start3A = arith.constant 0 : i32
      %dma_start3A_36 = tpu.memref_slice %arg3[%arg0, %mul3A_35, %dma_start3A] : memref<2x10240x128xf32, #tpu.memory_space<hbm>> -> memref<1x640x128xf32, #tpu.memory_space<hbm>>
      %dma_start3A_37 = tpu.memref_squeeze %dma_start3A_36 : memref<1x640x128xf32, #tpu.memory_space<hbm>> -> memref<640x128xf32, #tpu.memory_space<hbm>>
      %dma_start3A_38 = arith.constant 0 : i32
      %dma_start3A_39 = tpu.memref_slice %arg7[%mul3A_35, %dma_start3A_38] : memref<10240x128xf32, #tpu.memory_space<vmem_shared>> -> memref<640x128xf32, #tpu.memory_space<vmem_shared>>
      tpu.enqueue_dma source(%dma_start3A_39 : memref<640x128xf32, #tpu.memory_space<vmem_shared>>) target(%dma_start3A_37 : memref<640x128xf32, #tpu.memory_space<hbm>>) target_semaphore(%run_scoped3A : memref<!tpu.dma_semaphore, #tpu.memory_space<semaphore_mem>>)
      %dma_wait3A = arith.constant 0 : i32
      %dma_wait3A_40 = tpu.memref_slice %arg3[%arg0, %mul3A_35, %dma_wait3A] : memref<2x10240x128xf32, #tpu.memory_space<hbm>> -> memref<1x640x128xf32, #tpu.memory_space<hbm>>
      %dma_wait3A_41 = tpu.memref_squeeze %dma_wait3A_40 : memref<1x640x128xf32, #tpu.memory_space<hbm>> -> memref<640x128xf32, #tpu.memory_space<hbm>>
      %dma_wait3A_42 = arith.constant 0 : i32
      %dma_wait3A_43 = tpu.memref_slice %arg7[%mul3A_35, %dma_wait3A_42] : memref<10240x128xf32, #tpu.memory_space<vmem_shared>> -> memref<640x128xf32, #tpu.memory_space<vmem_shared>>
      tpu.wait_dma2 semaphore(%run_scoped3A : memref<!tpu.dma_semaphore, #tpu.memory_space<semaphore_mem>>) src(%dma_wait3A_43 : memref<640x128xf32, #tpu.memory_space<vmem_shared>>) dst(%dma_wait3A_41 : memref<640x128xf32, #tpu.memory_space<hbm>>)
      tpu.yield
    }) : () -> ()
    return
  }
}

#map = affine_map<(d0, d1) -> (0, 0)>
#map1 = affine_map<(d0, d1) -> (0, 0, 0)>
module attributes {stable_mosaic.version = 14 : i64} {
  func.func @_sc_agg_body(%arg0: i32, %arg1: i32, %arg2: memref<10240x128xf32, #tpu.memory_space<hbm>>, %arg3: memref<640x128xf32, #tpu.memory_space<hbm>>, %arg4: memref<32x80x128xi32, #tpu.memory_space<hbm>>, %arg5: memref<32x80x128xi32, #tpu.memory_space<hbm>>, %arg6: memref<2x10240x128xf32, #tpu.memory_space<hbm>>, %arg7: memref<160x128xi32, #tpu.memory_space<vmem>>, %arg8: memref<128x128xf32, #tpu.memory_space<vmem>>, %arg9: memref<!tpu.dma_semaphore, #tpu.memory_space<semaphore_mem>>, %arg10: memref<10240x128xf32, #tpu.memory_space<vmem_shared>>) attributes {dimension_semantics = [#tpu.dimension_semantics<core_parallel>, #tpu.dimension_semantics<subcore_parallel>], iteration_bounds = array<i64: 2, 16>, scalar_prefetch = 0 : i64, scratch_operands = 4 : i64, tpu.core_type = #tpu.core_type<sc_vector_subcore>, window_params = [{transform_indices = #map}, {transform_indices = #map}, {transform_indices = #map1}, {transform_indices = #map1}, {transform_indices = #map1}]} {
    %mul3A = arith.constant 2 : i32
    %mul3A_0 = arith.muli %arg1, %mul3A : i32
    %add3A = arith.addi %mul3A_0, %arg0 : i32
    %mul3A_1 = arith.constant 640 : i32
    %mul3A_2 = arith.muli %arg1, %mul3A_1 : i32
    "tpu.region"() ({
      %run_scoped3A = tpu.sem_alloc : memref<!tpu.dma_semaphore, #tpu.memory_space<semaphore_mem>>
      %dma_start3A = arith.constant 0 : i32
      %dma_start3A_11 = tpu.memref_slice %arg10[%mul3A_2, %dma_start3A] : memref<10240x128xf32, #tpu.memory_space<vmem_shared>> -> memref<640x128xf32, #tpu.memory_space<vmem_shared>>
      tpu.enqueue_dma source(%arg3 : memref<640x128xf32, #tpu.memory_space<hbm>>) target(%dma_start3A_11 : memref<640x128xf32, #tpu.memory_space<vmem_shared>>) target_semaphore(%run_scoped3A : memref<!tpu.dma_semaphore, #tpu.memory_space<semaphore_mem>>)
      %dma_wait3A = arith.constant 0 : i32
      %dma_wait3A_12 = tpu.memref_slice %arg10[%mul3A_2, %dma_wait3A] : memref<10240x128xf32, #tpu.memory_space<vmem_shared>> -> memref<640x128xf32, #tpu.memory_space<vmem_shared>>
      tpu.wait_dma2 semaphore(%run_scoped3A : memref<!tpu.dma_semaphore, #tpu.memory_space<semaphore_mem>>) src(%arg3 : memref<640x128xf32, #tpu.memory_space<hbm>>) dst(%dma_wait3A_12 : memref<640x128xf32, #tpu.memory_space<vmem_shared>>)
      tpu.yield
    }) : () -> ()
    "tpu.region"() ({
      %run_scoped3A = tpu.sem_alloc : memref<!tpu.dma_semaphore, #tpu.memory_space<semaphore_mem>>
      %dma_start3A = arith.constant 0 : i32
      %dma_start3A_11 = arith.constant 0 : i32
      %dma_start3A_12 = tpu.memref_slice %arg7[%dma_start3A, %dma_start3A_11] : memref<160x128xi32, #tpu.memory_space<vmem>> -> memref<80x128xi32, #tpu.memory_space<vmem>>
      %dma_start3A_13 = arith.constant 0 : i32
      %dma_start3A_14 = arith.constant 0 : i32
      %dma_start3A_15 = tpu.memref_slice %arg4[%add3A, %dma_start3A_13, %dma_start3A_14] : memref<32x80x128xi32, #tpu.memory_space<hbm>> -> memref<1x80x128xi32, #tpu.memory_space<hbm>>
      %dma_start3A_16 = tpu.memref_squeeze %dma_start3A_15 : memref<1x80x128xi32, #tpu.memory_space<hbm>> -> memref<80x128xi32, #tpu.memory_space<hbm>>
      %dma_start3A_17 = arith.constant 0 : i32
      %dma_start3A_18 = arith.constant 0 : i32
      %dma_start3A_19 = tpu.memref_slice %arg7[%dma_start3A_17, %dma_start3A_18] : memref<160x128xi32, #tpu.memory_space<vmem>> -> memref<80x128xi32, #tpu.memory_space<vmem>>
      %dma_start3A_20 = arith.constant 0 : i32
      %dma_start3A_21 = arith.constant 0 : i32
      %dma_start3A_22 = tpu.memref_slice %arg4[%add3A, %dma_start3A_20, %dma_start3A_21] : memref<32x80x128xi32, #tpu.memory_space<hbm>> -> memref<1x80x128xi32, #tpu.memory_space<hbm>>
      %dma_start3A_23 = tpu.memref_squeeze %dma_start3A_22 : memref<1x80x128xi32, #tpu.memory_space<hbm>> -> memref<80x128xi32, #tpu.memory_space<hbm>>
      tpu.enqueue_dma source(%dma_start3A_23 : memref<80x128xi32, #tpu.memory_space<hbm>>) target(%dma_start3A_19 : memref<80x128xi32, #tpu.memory_space<vmem>>) target_semaphore(%run_scoped3A : memref<!tpu.dma_semaphore, #tpu.memory_space<semaphore_mem>>)
      %dma_wait3A = arith.constant 0 : i32
      %dma_wait3A_24 = arith.constant 0 : i32
      %dma_wait3A_25 = tpu.memref_slice %arg7[%dma_wait3A, %dma_wait3A_24] : memref<160x128xi32, #tpu.memory_space<vmem>> -> memref<80x128xi32, #tpu.memory_space<vmem>>
      %dma_wait3A_26 = arith.constant 0 : i32
      %dma_wait3A_27 = arith.constant 0 : i32
      %dma_wait3A_28 = tpu.memref_slice %arg4[%add3A, %dma_wait3A_26, %dma_wait3A_27] : memref<32x80x128xi32, #tpu.memory_space<hbm>> -> memref<1x80x128xi32, #tpu.memory_space<hbm>>
      %dma_wait3A_29 = tpu.memref_squeeze %dma_wait3A_28 : memref<1x80x128xi32, #tpu.memory_space<hbm>> -> memref<80x128xi32, #tpu.memory_space<hbm>>
      %dma_wait3A_30 = arith.constant 0 : i32
      %dma_wait3A_31 = arith.constant 0 : i32
      %dma_wait3A_32 = tpu.memref_slice %arg7[%dma_wait3A_30, %dma_wait3A_31] : memref<160x128xi32, #tpu.memory_space<vmem>> -> memref<80x128xi32, #tpu.memory_space<vmem>>
      %dma_wait3A_33 = arith.constant 0 : i32
      %dma_wait3A_34 = arith.constant 0 : i32
      %dma_wait3A_35 = tpu.memref_slice %arg4[%add3A, %dma_wait3A_33, %dma_wait3A_34] : memref<32x80x128xi32, #tpu.memory_space<hbm>> -> memref<1x80x128xi32, #tpu.memory_space<hbm>>
      %dma_wait3A_36 = tpu.memref_squeeze %dma_wait3A_35 : memref<1x80x128xi32, #tpu.memory_space<hbm>> -> memref<80x128xi32, #tpu.memory_space<hbm>>
      tpu.wait_dma2 semaphore(%run_scoped3A : memref<!tpu.dma_semaphore, #tpu.memory_space<semaphore_mem>>) src(%dma_wait3A_36 : memref<80x128xi32, #tpu.memory_space<hbm>>) dst(%dma_wait3A_32 : memref<80x128xi32, #tpu.memory_space<vmem>>)
      tpu.yield
    }) : () -> ()
    "tpu.region"() ({
      %run_scoped3A = tpu.sem_alloc : memref<!tpu.dma_semaphore, #tpu.memory_space<semaphore_mem>>
      %dma_start3A = arith.constant 80 : i32
      %dma_start3A_11 = arith.constant 0 : i32
      %dma_start3A_12 = tpu.memref_slice %arg7[%dma_start3A, %dma_start3A_11] : memref<160x128xi32, #tpu.memory_space<vmem>> -> memref<80x128xi32, #tpu.memory_space<vmem>>
      %dma_start3A_13 = arith.constant 0 : i32
      %dma_start3A_14 = arith.constant 0 : i32
      %dma_start3A_15 = tpu.memref_slice %arg5[%add3A, %dma_start3A_13, %dma_start3A_14] : memref<32x80x128xi32, #tpu.memory_space<hbm>> -> memref<1x80x128xi32, #tpu.memory_space<hbm>>
      %dma_start3A_16 = tpu.memref_squeeze %dma_start3A_15 : memref<1x80x128xi32, #tpu.memory_space<hbm>> -> memref<80x128xi32, #tpu.memory_space<hbm>>
      %dma_start3A_17 = arith.constant 80 : i32
      %dma_start3A_18 = arith.constant 0 : i32
      %dma_start3A_19 = tpu.memref_slice %arg7[%dma_start3A_17, %dma_start3A_18] : memref<160x128xi32, #tpu.memory_space<vmem>> -> memref<80x128xi32, #tpu.memory_space<vmem>>
      %dma_start3A_20 = arith.constant 0 : i32
      %dma_start3A_21 = arith.constant 0 : i32
      %dma_start3A_22 = tpu.memref_slice %arg5[%add3A, %dma_start3A_20, %dma_start3A_21] : memref<32x80x128xi32, #tpu.memory_space<hbm>> -> memref<1x80x128xi32, #tpu.memory_space<hbm>>
      %dma_start3A_23 = tpu.memref_squeeze %dma_start3A_22 : memref<1x80x128xi32, #tpu.memory_space<hbm>> -> memref<80x128xi32, #tpu.memory_space<hbm>>
      tpu.enqueue_dma source(%dma_start3A_23 : memref<80x128xi32, #tpu.memory_space<hbm>>) target(%dma_start3A_19 : memref<80x128xi32, #tpu.memory_space<vmem>>) target_semaphore(%run_scoped3A : memref<!tpu.dma_semaphore, #tpu.memory_space<semaphore_mem>>)
      %dma_wait3A = arith.constant 80 : i32
      %dma_wait3A_24 = arith.constant 0 : i32
      %dma_wait3A_25 = tpu.memref_slice %arg7[%dma_wait3A, %dma_wait3A_24] : memref<160x128xi32, #tpu.memory_space<vmem>> -> memref<80x128xi32, #tpu.memory_space<vmem>>
      %dma_wait3A_26 = arith.constant 0 : i32
      %dma_wait3A_27 = arith.constant 0 : i32
      %dma_wait3A_28 = tpu.memref_slice %arg5[%add3A, %dma_wait3A_26, %dma_wait3A_27] : memref<32x80x128xi32, #tpu.memory_space<hbm>> -> memref<1x80x128xi32, #tpu.memory_space<hbm>>
      %dma_wait3A_29 = tpu.memref_squeeze %dma_wait3A_28 : memref<1x80x128xi32, #tpu.memory_space<hbm>> -> memref<80x128xi32, #tpu.memory_space<hbm>>
      %dma_wait3A_30 = arith.constant 80 : i32
      %dma_wait3A_31 = arith.constant 0 : i32
      %dma_wait3A_32 = tpu.memref_slice %arg7[%dma_wait3A_30, %dma_wait3A_31] : memref<160x128xi32, #tpu.memory_space<vmem>> -> memref<80x128xi32, #tpu.memory_space<vmem>>
      %dma_wait3A_33 = arith.constant 0 : i32
      %dma_wait3A_34 = arith.constant 0 : i32
      %dma_wait3A_35 = tpu.memref_slice %arg5[%add3A, %dma_wait3A_33, %dma_wait3A_34] : memref<32x80x128xi32, #tpu.memory_space<hbm>> -> memref<1x80x128xi32, #tpu.memory_space<hbm>>
      %dma_wait3A_36 = tpu.memref_squeeze %dma_wait3A_35 : memref<1x80x128xi32, #tpu.memory_space<hbm>> -> memref<80x128xi32, #tpu.memory_space<hbm>>
      tpu.wait_dma2 semaphore(%run_scoped3A : memref<!tpu.dma_semaphore, #tpu.memory_space<semaphore_mem>>) src(%dma_wait3A_36 : memref<80x128xi32, #tpu.memory_space<hbm>>) dst(%dma_wait3A_32 : memref<80x128xi32, #tpu.memory_space<vmem>>)
      tpu.yield
    }) : () -> ()
    %barrier3A = arith.constant 0 : index
    tpu.barrier barrier_id(%barrier3A)
    %scan3A = arith.constant 0 : i32
    %scan3A_3 = arith.constant 0 : i32
    %scan3A_4 = arith.constant 80 : i32
    %scan3A_5 = arith.addi %scan3A_3, %scan3A_4 : i32
    %scan3A_6 = arith.constant 1 : i32
    scf.for %scan3A_11 = %scan3A_3 to %scan3A_5 step %scan3A_6  : i32 {
      %dma_start3A = arith.constant 0 : i32
      %dma_start3A_12 = tpu.memref_slice %arg7[%scan3A_11, %dma_start3A] : memref<160x128xi32, #tpu.memory_space<vmem>> -> memref<1x128xi32, #tpu.memory_space<vmem>>
      %dma_start3A_13 = tpu.memref_squeeze %dma_start3A_12 : memref<1x128xi32, #tpu.memory_space<vmem>> -> memref<128xi32, #tpu.memory_space<vmem>>
      %dma_start3A_14 = arith.constant 0 : i32
      %dma_start3A_15 = arith.constant 0 : i32
      %dma_start3A_16 = tpu.memref_slice %arg2[%dma_start3A_14, %dma_start3A_15] : memref<10240x128xf32, #tpu.memory_space<hbm>> -> memref<10240x128xf32, #tpu.memory_space<hbm>>
      tpu.enqueue_indirect_dma source(%dma_start3A_16 : memref<10240x128xf32, #tpu.memory_space<hbm>>) target(%arg8 : memref<128x128xf32, #tpu.memory_space<vmem>>) offsets(%dma_start3A_13 : memref<128xi32, #tpu.memory_space<vmem>>) semaphore(%arg9 : memref<!tpu.dma_semaphore, #tpu.memory_space<semaphore_mem>>)
      %dma_wait3A = arith.constant 0 : i32
      %dma_wait3A_17 = tpu.memref_slice %arg7[%scan3A_11, %dma_wait3A] : memref<160x128xi32, #tpu.memory_space<vmem>> -> memref<1x128xi32, #tpu.memory_space<vmem>>
      %dma_wait3A_18 = tpu.memref_squeeze %dma_wait3A_17 : memref<1x128xi32, #tpu.memory_space<vmem>> -> memref<128xi32, #tpu.memory_space<vmem>>
      %dma_wait3A_19 = arith.constant 0 : i32
      %dma_wait3A_20 = arith.constant 0 : i32
      %dma_wait3A_21 = tpu.memref_slice %arg2[%dma_wait3A_19, %dma_wait3A_20] : memref<10240x128xf32, #tpu.memory_space<hbm>> -> memref<10240x128xf32, #tpu.memory_space<hbm>>
      tpu.wait_indirect_dma semaphore(%arg9 : memref<!tpu.dma_semaphore, #tpu.memory_space<semaphore_mem>>) src(%dma_wait3A_21 : memref<10240x128xf32, #tpu.memory_space<hbm>>) dst(%arg8 : memref<128x128xf32, #tpu.memory_space<vmem>>)
      %add3A_22 = arith.constant 80 : i32
      %add3A_23 = arith.addi %add3A_22, %scan3A_11 : i32
      "tpu.region"() ({
        %run_scoped3A = tpu.sem_alloc : memref<!tpu.dma_semaphore, #tpu.memory_space<semaphore_mem>>
        %dma_start3A_24 = arith.constant 0 : i32
        %dma_start3A_25 = tpu.memref_slice %arg7[%add3A_23, %dma_start3A_24] : memref<160x128xi32, #tpu.memory_space<vmem>> -> memref<1x128xi32, #tpu.memory_space<vmem>>
        %dma_start3A_26 = tpu.memref_squeeze %dma_start3A_25 : memref<1x128xi32, #tpu.memory_space<vmem>> -> memref<128xi32, #tpu.memory_space<vmem>>
        %dma_start3A_27 = arith.constant 0 : i32
        %dma_start3A_28 = arith.constant 0 : i32
        %dma_start3A_29 = tpu.memref_slice %arg10[%dma_start3A_27, %dma_start3A_28] : memref<10240x128xf32, #tpu.memory_space<vmem_shared>> -> memref<10240x128xf32, #tpu.memory_space<vmem_shared>>
        tpu.enqueue_indirect_dma source(%arg8 : memref<128x128xf32, #tpu.memory_space<vmem>>) target(%dma_start3A_29 : memref<10240x128xf32, #tpu.memory_space<vmem_shared>>) offsets(%dma_start3A_26 : memref<128xi32, #tpu.memory_space<vmem>>) semaphore(%run_scoped3A : memref<!tpu.dma_semaphore, #tpu.memory_space<semaphore_mem>>) {add = true}
        %dma_wait3A_30 = arith.constant 0 : i32
        %dma_wait3A_31 = tpu.memref_slice %arg7[%add3A_23, %dma_wait3A_30] : memref<160x128xi32, #tpu.memory_space<vmem>> -> memref<1x128xi32, #tpu.memory_space<vmem>>
        %dma_wait3A_32 = tpu.memref_squeeze %dma_wait3A_31 : memref<1x128xi32, #tpu.memory_space<vmem>> -> memref<128xi32, #tpu.memory_space<vmem>>
        %dma_wait3A_33 = arith.constant 0 : i32
        %dma_wait3A_34 = arith.constant 0 : i32
        %dma_wait3A_35 = tpu.memref_slice %arg10[%dma_wait3A_33, %dma_wait3A_34] : memref<10240x128xf32, #tpu.memory_space<vmem_shared>> -> memref<10240x128xf32, #tpu.memory_space<vmem_shared>>
        tpu.wait_indirect_dma semaphore(%run_scoped3A : memref<!tpu.dma_semaphore, #tpu.memory_space<semaphore_mem>>) src(%arg8 : memref<128x128xf32, #tpu.memory_space<vmem>>) dst(%dma_wait3A_35 : memref<10240x128xf32, #tpu.memory_space<vmem_shared>>)
        tpu.yield
      }) : () -> ()
    }
    %scan3A_7 = arith.constant 80 : i32
    %barrier3A_8 = arith.constant 0 : index
    tpu.barrier barrier_id(%barrier3A_8)
    %mul3A_9 = arith.constant 640 : i32
    %mul3A_10 = arith.muli %arg1, %mul3A_9 : i32
    "tpu.region"() ({
      %run_scoped3A = tpu.sem_alloc : memref<!tpu.dma_semaphore, #tpu.memory_space<semaphore_mem>>
      %dma_start3A = arith.constant 0 : i32
      %dma_start3A_11 = tpu.memref_slice %arg6[%arg0, %mul3A_10, %dma_start3A] : memref<2x10240x128xf32, #tpu.memory_space<hbm>> -> memref<1x640x128xf32, #tpu.memory_space<hbm>>
      %dma_start3A_12 = tpu.memref_squeeze %dma_start3A_11 : memref<1x640x128xf32, #tpu.memory_space<hbm>> -> memref<640x128xf32, #tpu.memory_space<hbm>>
      %dma_start3A_13 = arith.constant 0 : i32
      %dma_start3A_14 = tpu.memref_slice %arg10[%mul3A_10, %dma_start3A_13] : memref<10240x128xf32, #tpu.memory_space<vmem_shared>> -> memref<640x128xf32, #tpu.memory_space<vmem_shared>>
      tpu.enqueue_dma source(%dma_start3A_14 : memref<640x128xf32, #tpu.memory_space<vmem_shared>>) target(%dma_start3A_12 : memref<640x128xf32, #tpu.memory_space<hbm>>) target_semaphore(%run_scoped3A : memref<!tpu.dma_semaphore, #tpu.memory_space<semaphore_mem>>)
      %dma_wait3A = arith.constant 0 : i32
      %dma_wait3A_15 = tpu.memref_slice %arg6[%arg0, %mul3A_10, %dma_wait3A] : memref<2x10240x128xf32, #tpu.memory_space<hbm>> -> memref<1x640x128xf32, #tpu.memory_space<hbm>>
      %dma_wait3A_16 = tpu.memref_squeeze %dma_wait3A_15 : memref<1x640x128xf32, #tpu.memory_space<hbm>> -> memref<640x128xf32, #tpu.memory_space<hbm>>
      %dma_wait3A_17 = arith.constant 0 : i32
      %dma_wait3A_18 = tpu.memref_slice %arg10[%mul3A_10, %dma_wait3A_17] : memref<10240x128xf32, #tpu.memory_space<vmem_shared>> -> memref<640x128xf32, #tpu.memory_space<vmem_shared>>
      tpu.wait_dma2 semaphore(%run_scoped3A : memref<!tpu.dma_semaphore, #tpu.memory_space<semaphore_mem>>) src(%dma_wait3A_18 : memref<640x128xf32, #tpu.memory_space<vmem_shared>>) dst(%dma_wait3A_16 : memref<640x128xf32, #tpu.memory_space<hbm>>)
      tpu.yield
    }) : () -> ()
    return
  }
}

module attributes {stable_mosaic.version = 14 : i64} {
  func.func @_dense_body(%arg0: i32, %arg1: memref<2x1280x128xf32, #tpu.memory_space<vmem>>, %arg2: memref<2x1280x128xf32, #tpu.memory_space<vmem>>, %arg3: memref<1280x128xf32, #tpu.memory_space<vmem>>, %arg4: memref<128x128xf32, #tpu.memory_space<vmem>>, %arg5: memref<128x128xf32, #tpu.memory_space<vmem>>, %arg6: memref<1x128xf32, #tpu.memory_space<vmem>>, %arg7: memref<1280x128xf32, #tpu.memory_space<vmem>>) attributes {dimension_semantics = [#tpu.dimension_semantics<arbitrary>], iteration_bounds = array<i64: 8>, scalar_prefetch = 0 : i64, scratch_operands = 0 : i64, tpu.core_type = #tpu.core_type<tc>, window_params = [{transform_indices = @transform_0, window_bounds = array<i64: 2, 1280, 128>}, {transform_indices = @transform_1, window_bounds = array<i64: 2, 1280, 128>}, {transform_indices = @transform_2, window_bounds = array<i64: 1280, 128>}, {pipeline_mode = #tpu.pipeline_mode<synchronous>, transform_indices = @transform_3, window_bounds = array<i64: 128, 128>}, {pipeline_mode = #tpu.pipeline_mode<synchronous>, transform_indices = @transform_4, window_bounds = array<i64: 128, 128>}, {pipeline_mode = #tpu.pipeline_mode<synchronous>, transform_indices = @transform_5, window_bounds = array<i64: 1, 128>}, {transform_indices = @transform_6, window_bounds = array<i64: 1280, 128>}]} {
    %get3A = arith.constant 0 : index
    %get3A_0 = arith.constant 0 : index
    %get3A_1 = arith.constant 0 : index
    %get3A_2 = vector.load %arg1[%get3A, %get3A_0, %get3A_1] : memref<2x1280x128xf32, #tpu.memory_space<vmem>>, vector<1x1280x128xf32>
    %get3A_3 = vector.shape_cast %get3A_2 : vector<1x1280x128xf32> to vector<1280x128xf32>
    %get3A_4 = arith.constant 1 : index
    %get3A_5 = arith.constant 0 : index
    %get3A_6 = arith.constant 0 : index
    %get3A_7 = vector.load %arg1[%get3A_4, %get3A_5, %get3A_6] : memref<2x1280x128xf32, #tpu.memory_space<vmem>>, vector<1x1280x128xf32>
    %get3A_8 = vector.shape_cast %get3A_7 : vector<1x1280x128xf32> to vector<1280x128xf32>
    %add3A = arith.addf %get3A_3, %get3A_8 : vector<1280x128xf32>
    %get3A_9 = arith.constant 0 : index
    %get3A_10 = arith.constant 0 : index
    %get3A_11 = arith.constant 0 : index
    %get3A_12 = vector.load %arg2[%get3A_9, %get3A_10, %get3A_11] : memref<2x1280x128xf32, #tpu.memory_space<vmem>>, vector<1x1280x1xf32>
    %get3A_13 = vector.shape_cast %get3A_12 : vector<1x1280x1xf32> to vector<1280x1xf32>
    %get3A_14 = arith.constant 1 : index
    %get3A_15 = arith.constant 0 : index
    %get3A_16 = arith.constant 0 : index
    %get3A_17 = vector.load %arg2[%get3A_14, %get3A_15, %get3A_16] : memref<2x1280x128xf32, #tpu.memory_space<vmem>>, vector<1x1280x1xf32>
    %get3A_18 = vector.shape_cast %get3A_17 : vector<1x1280x1xf32> to vector<1280x1xf32>
    %add3A_19 = arith.addf %get3A_13, %get3A_18 : vector<1280x1xf32>
    %max3A = arith.constant 1.000000e+00 : f32
    %max3A_20 = vector.broadcast %max3A : f32 to vector<1280x1xf32>
    %max3A_21 = arith.maximumf %add3A_19, %max3A_20 : vector<1280x1xf32>
    %div3A = vector.broadcast %max3A_21 : vector<1280x1xf32> to vector<1280x128xf32>
    %div3A_22 = arith.divf %add3A, %div3A : vector<1280x128xf32>
    %get3A_23 = arith.constant 0 : index
    %get3A_24 = arith.constant 0 : index
    %get3A_25 = vector.load %arg4[%get3A_23, %get3A_24] : memref<128x128xf32, #tpu.memory_space<vmem>>, vector<128x128xf32>
    %dot_general3A = arith.constant dense<0.000000e+00> : vector<1280x128xf32>
    %dot_general3A_26 = tpu.matmul %div3A_22, %get3A_25, %dot_general3A {dimension_numbers = #tpu.dot_dimension_numbers<[1], [0], [0], [1], [0, 0, 1, 1], [], []>, transpose_lhs_hint = false} : vector<1280x128xf32>, vector<128x128xf32>, vector<1280x128xf32> -> vector<1280x128xf32>
    %get3A_27 = arith.constant 0 : index
    %get3A_28 = arith.constant 0 : index
    %get3A_29 = vector.load %arg3[%get3A_27, %get3A_28] : memref<1280x128xf32, #tpu.memory_space<vmem>>, vector<1280x128xf32>
    %get3A_30 = arith.constant 0 : index
    %get3A_31 = arith.constant 0 : index
    %get3A_32 = vector.load %arg5[%get3A_30, %get3A_31] : memref<128x128xf32, #tpu.memory_space<vmem>>, vector<128x128xf32>
    %dot_general3A_33 = arith.constant dense<0.000000e+00> : vector<1280x128xf32>
    %dot_general3A_34 = tpu.matmul %get3A_29, %get3A_32, %dot_general3A_33 {dimension_numbers = #tpu.dot_dimension_numbers<[1], [0], [0], [1], [0, 0, 1, 1], [], []>, transpose_lhs_hint = false} : vector<1280x128xf32>, vector<128x128xf32>, vector<1280x128xf32> -> vector<1280x128xf32>
    %add3A_35 = arith.addf %dot_general3A_26, %dot_general3A_34 : vector<1280x128xf32>
    %get3A_36 = arith.constant 0 : index
    %get3A_37 = arith.constant 0 : index
    %get3A_38 = vector.load %arg6[%get3A_36, %get3A_37] : memref<1x128xf32, #tpu.memory_space<vmem>>, vector<1x128xf32>
    %add3A_39 = vector.broadcast %get3A_38 : vector<1x128xf32> to vector<1280x128xf32>
    %add3A_40 = arith.addf %add3A_35, %add3A_39 : vector<1280x128xf32>
    %max3A_41 = arith.constant 0.000000e+00 : f32
    %max3A_42 = vector.broadcast %max3A_41 : f32 to vector<1280x128xf32>
    %max3A_43 = arith.maximumf %add3A_40, %max3A_42 : vector<1280x128xf32>
    %swap3A = arith.constant 0 : index
    %swap3A_44 = arith.constant 0 : index
    %swap3A_45 = vector.load %arg7[%swap3A, %swap3A_44] : memref<1280x128xf32, #tpu.memory_space<vmem>>, vector<1280x128xf32>
    tpu.vector_store %arg7[%swap3A, %swap3A_44], %max3A_43 {strides = array<i32>} : memref<1280x128xf32, #tpu.memory_space<vmem>>, vector<1280x128xf32>,
    return
  }
  func.func @transform_0(%arg0: i32) -> (i32, i32, i32) {
    %c0_i32 = arith.constant 0 : i32
    %c0_i32_0 = arith.constant 0 : i32
    %c0_i32_1 = arith.constant 0 : i32
    return %c0_i32, %arg0, %c0_i32_0 : i32, i32, i32
  }
  func.func @transform_1(%arg0: i32) -> (i32, i32, i32) {
    %c0_i32 = arith.constant 0 : i32
    %c0_i32_0 = arith.constant 0 : i32
    %c0_i32_1 = arith.constant 0 : i32
    return %c0_i32, %arg0, %c0_i32_0 : i32, i32, i32
  }
  func.func @transform_2(%arg0: i32) -> (i32, i32) {
    %c0_i32 = arith.constant 0 : i32
    %c0_i32_0 = arith.constant 0 : i32
    return %arg0, %c0_i32 : i32, i32
  }
  func.func @transform_3(%arg0: i32) -> (i32, i32) {
    %c0_i32 = arith.constant 0 : i32
    %c0_i32_0 = arith.constant 0 : i32
    %c0_i32_1 = arith.constant 0 : i32
    return %c0_i32, %c0_i32_0 : i32, i32
  }
  func.func @transform_4(%arg0: i32) -> (i32, i32) {
    %c0_i32 = arith.constant 0 : i32
    %c0_i32_0 = arith.constant 0 : i32
    %c0_i32_1 = arith.constant 0 : i32
    return %c0_i32, %c0_i32_0 : i32, i32
  }
  func.func @transform_5(%arg0: i32) -> (i32, i32) {
    %c0_i32 = arith.constant 0 : i32
    %c0_i32_0 = arith.constant 0 : i32
    %c0_i32_1 = arith.constant 0 : i32
    return %c0_i32, %c0_i32_0 : i32, i32
  }
  func.func @transform_6(%arg0: i32) -> (i32, i32) {
    %c0_i32 = arith.constant 0 : i32
    %c0_i32_0 = arith.constant 0 : i32
    return %arg0, %c0_i32 : i32, i32
  }
}

module attributes {stable_mosaic.version = 14 : i64} {
  func.func @_dense_body(%arg0: i32, %arg1: memref<2x1280x128xf32, #tpu.memory_space<vmem>>, %arg2: memref<2x1280x128xf32, #tpu.memory_space<vmem>>, %arg3: memref<1280x128xf32, #tpu.memory_space<vmem>>, %arg4: memref<128x128xf32, #tpu.memory_space<vmem>>, %arg5: memref<128x128xf32, #tpu.memory_space<vmem>>, %arg6: memref<1x128xf32, #tpu.memory_space<vmem>>, %arg7: memref<1280x128xf32, #tpu.memory_space<vmem>>) attributes {dimension_semantics = [#tpu.dimension_semantics<arbitrary>], iteration_bounds = array<i64: 8>, scalar_prefetch = 0 : i64, scratch_operands = 0 : i64, tpu.core_type = #tpu.core_type<tc>, window_params = [{transform_indices = @transform_0, window_bounds = array<i64: 2, 1280, 128>}, {transform_indices = @transform_1, window_bounds = array<i64: 2, 1280, 128>}, {transform_indices = @transform_2, window_bounds = array<i64: 1280, 128>}, {pipeline_mode = #tpu.pipeline_mode<synchronous>, transform_indices = @transform_3, window_bounds = array<i64: 128, 128>}, {pipeline_mode = #tpu.pipeline_mode<synchronous>, transform_indices = @transform_4, window_bounds = array<i64: 128, 128>}, {pipeline_mode = #tpu.pipeline_mode<synchronous>, transform_indices = @transform_5, window_bounds = array<i64: 1, 128>}, {transform_indices = @transform_6, window_bounds = array<i64: 1280, 128>}]} {
    %get3A = arith.constant 0 : index
    %get3A_0 = arith.constant 0 : index
    %get3A_1 = arith.constant 0 : index
    %get3A_2 = vector.load %arg1[%get3A, %get3A_0, %get3A_1] : memref<2x1280x128xf32, #tpu.memory_space<vmem>>, vector<1x1280x128xf32>
    %get3A_3 = vector.shape_cast %get3A_2 : vector<1x1280x128xf32> to vector<1280x128xf32>
    %get3A_4 = arith.constant 1 : index
    %get3A_5 = arith.constant 0 : index
    %get3A_6 = arith.constant 0 : index
    %get3A_7 = vector.load %arg1[%get3A_4, %get3A_5, %get3A_6] : memref<2x1280x128xf32, #tpu.memory_space<vmem>>, vector<1x1280x128xf32>
    %get3A_8 = vector.shape_cast %get3A_7 : vector<1x1280x128xf32> to vector<1280x128xf32>
    %add3A = arith.addf %get3A_3, %get3A_8 : vector<1280x128xf32>
    %get3A_9 = arith.constant 0 : index
    %get3A_10 = arith.constant 0 : index
    %get3A_11 = arith.constant 0 : index
    %get3A_12 = vector.load %arg2[%get3A_9, %get3A_10, %get3A_11] : memref<2x1280x128xf32, #tpu.memory_space<vmem>>, vector<1x1280x1xf32>
    %get3A_13 = vector.shape_cast %get3A_12 : vector<1x1280x1xf32> to vector<1280x1xf32>
    %get3A_14 = arith.constant 1 : index
    %get3A_15 = arith.constant 0 : index
    %get3A_16 = arith.constant 0 : index
    %get3A_17 = vector.load %arg2[%get3A_14, %get3A_15, %get3A_16] : memref<2x1280x128xf32, #tpu.memory_space<vmem>>, vector<1x1280x1xf32>
    %get3A_18 = vector.shape_cast %get3A_17 : vector<1x1280x1xf32> to vector<1280x1xf32>
    %add3A_19 = arith.addf %get3A_13, %get3A_18 : vector<1280x1xf32>
    %max3A = arith.constant 1.000000e+00 : f32
    %max3A_20 = vector.broadcast %max3A : f32 to vector<1280x1xf32>
    %max3A_21 = arith.maximumf %add3A_19, %max3A_20 : vector<1280x1xf32>
    %div3A = vector.broadcast %max3A_21 : vector<1280x1xf32> to vector<1280x128xf32>
    %div3A_22 = arith.divf %add3A, %div3A : vector<1280x128xf32>
    %get3A_23 = arith.constant 0 : index
    %get3A_24 = arith.constant 0 : index
    %get3A_25 = vector.load %arg4[%get3A_23, %get3A_24] : memref<128x128xf32, #tpu.memory_space<vmem>>, vector<128x128xf32>
    %dot_general3A = arith.constant dense<0.000000e+00> : vector<1280x128xf32>
    %dot_general3A_26 = tpu.matmul %div3A_22, %get3A_25, %dot_general3A {dimension_numbers = #tpu.dot_dimension_numbers<[1], [0], [0], [1], [0, 0, 1, 1], [], []>, transpose_lhs_hint = false} : vector<1280x128xf32>, vector<128x128xf32>, vector<1280x128xf32> -> vector<1280x128xf32>
    %get3A_27 = arith.constant 0 : index
    %get3A_28 = arith.constant 0 : index
    %get3A_29 = vector.load %arg3[%get3A_27, %get3A_28] : memref<1280x128xf32, #tpu.memory_space<vmem>>, vector<1280x128xf32>
    %get3A_30 = arith.constant 0 : index
    %get3A_31 = arith.constant 0 : index
    %get3A_32 = vector.load %arg5[%get3A_30, %get3A_31] : memref<128x128xf32, #tpu.memory_space<vmem>>, vector<128x128xf32>
    %dot_general3A_33 = arith.constant dense<0.000000e+00> : vector<1280x128xf32>
    %dot_general3A_34 = tpu.matmul %get3A_29, %get3A_32, %dot_general3A_33 {dimension_numbers = #tpu.dot_dimension_numbers<[1], [0], [0], [1], [0, 0, 1, 1], [], []>, transpose_lhs_hint = false} : vector<1280x128xf32>, vector<128x128xf32>, vector<1280x128xf32> -> vector<1280x128xf32>
    %add3A_35 = arith.addf %dot_general3A_26, %dot_general3A_34 : vector<1280x128xf32>
    %get3A_36 = arith.constant 0 : index
    %get3A_37 = arith.constant 0 : index
    %get3A_38 = vector.load %arg6[%get3A_36, %get3A_37] : memref<1x128xf32, #tpu.memory_space<vmem>>, vector<1x128xf32>
    %add3A_39 = vector.broadcast %get3A_38 : vector<1x128xf32> to vector<1280x128xf32>
    %add3A_40 = arith.addf %add3A_35, %add3A_39 : vector<1280x128xf32>
    %swap3A = arith.constant 0 : index
    %swap3A_41 = arith.constant 0 : index
    %swap3A_42 = vector.load %arg7[%swap3A, %swap3A_41] : memref<1280x128xf32, #tpu.memory_space<vmem>>, vector<1280x128xf32>
    tpu.vector_store %arg7[%swap3A, %swap3A_41], %add3A_40 {strides = array<i32>} : memref<1280x128xf32, #tpu.memory_space<vmem>>, vector<1280x128xf32>,
    return
  }
  func.func @transform_0(%arg0: i32) -> (i32, i32, i32) {
    %c0_i32 = arith.constant 0 : i32
    %c0_i32_0 = arith.constant 0 : i32
    %c0_i32_1 = arith.constant 0 : i32
    return %c0_i32, %arg0, %c0_i32_0 : i32, i32, i32
  }
  func.func @transform_1(%arg0: i32) -> (i32, i32, i32) {
    %c0_i32 = arith.constant 0 : i32
    %c0_i32_0 = arith.constant 0 : i32
    %c0_i32_1 = arith.constant 0 : i32
    return %c0_i32, %arg0, %c0_i32_0 : i32, i32, i32
  }
  func.func @transform_2(%arg0: i32) -> (i32, i32) {
    %c0_i32 = arith.constant 0 : i32
    %c0_i32_0 = arith.constant 0 : i32
    return %arg0, %c0_i32 : i32, i32
  }
  func.func @transform_3(%arg0: i32) -> (i32, i32) {
    %c0_i32 = arith.constant 0 : i32
    %c0_i32_0 = arith.constant 0 : i32
    %c0_i32_1 = arith.constant 0 : i32
    return %c0_i32, %c0_i32_0 : i32, i32
  }
  func.func @transform_4(%arg0: i32) -> (i32, i32) {
    %c0_i32 = arith.constant 0 : i32
    %c0_i32_0 = arith.constant 0 : i32
    %c0_i32_1 = arith.constant 0 : i32
    return %c0_i32, %c0_i32_0 : i32, i32
  }
  func.func @transform_5(%arg0: i32) -> (i32, i32) {
    %c0_i32 = arith.constant 0 : i32
    %c0_i32_0 = arith.constant 0 : i32
    %c0_i32_1 = arith.constant 0 : i32
    return %c0_i32, %c0_i32_0 : i32, i32
  }
  func.func @transform_6(%arg0: i32) -> (i32, i32) {
    %c0_i32 = arith.constant 0 : i32
    %c0_i32_0 = arith.constant 0 : i32
    return %arg0, %c0_i32 : i32, i32
  }
}

</mosaic_0001>

<sc_bundles>
// kernel: kernel.10.cloned.1.call-start
scs
__scs_entry_jumppad:
0x0: {  	(pc) =	sbr.rel $0x88, $3  }
0x1: {  	(tag) =	ssettag $0x0;
	lr =	simm.s32 $0x1  }
0x2: {  	[smem:$0x3F99] =	sst lr;
	_ =	strace $0xD0000000  }
0x3: {  	_ = 	snop  }
0x4: {  	_ = 	snop  }
0x5: {  	_ = 	snop  }
0x6: {  	_ = 	snop  }
0x7: {  	_ = 	snop  }
__scs_overlays_trampoline_lowered:
0x8: {  	[smem:$0x3FA8] =	sst s0  }
0x9: {  	[smem:$0x3FA9] =	sst s1  }
0xa: {  	[smem:$0x3FAA] =	sst s2  }
0xb: {  	[smem:$0x3FAB] =	sst s3  }
0xc: {  	[smem:$0x3FAC] =	sst s4  }
0xd: {  	[smem:$0x3FAD] =	sst s5  }
0xe: {  	[smem:$0x3FAE] =	sst s6  }
0xf: {  	[smem:$0x3FAF] =	sst s7  }
0x10: {  	[smem:$0x3FB0] =	sst s8  }
0x11: {  	[smem:$0x3FB1] =	sst s9;
	s0 =	simm.s32 @!p0 $0x0  }
0x12: {  	s1 =	sld [smem:$0x3F97];
	s0 =	simm.s32 @p0 $0x1  }
0x13: {  	[smem:$0x3FB2] =	sst s0;
	s0 =	simm.s32 @!p1 $0x0  }
0x14: {  	s2 =	sld [smem:$0x3F96];
	s0 =	simm.s32 @p1 $0x1  }
0x15: {  	[smem:$0x3FB3] =	sst s0;
	s0 =	simm.s32 @!p2 $0x0  }
0x16: {  	s3 =	sld [smem:$0x3FDB];
	s0 =	simm.s32 @p2 $0x1  }
0x17: {  	s4 =	simm.s32 $0x1BF5;
	[smem:$0x3FB5] =	sst s0  }
0x18: {  	s0 =	sld [smem:$0x3F98];
	_ =	swait.ge [sflag:s4], $0x0  }
0x19: {  	s7 =	sld [smem:$0x3F99]  }
0x1a: {  	s8 =	sadd.s32 $0xFFFFE003, lr  }
0x1b: {  	s9 =	sadd.s32 $0xFFFFFEF7, lr;
	s5 =	simm.s32 $0xFFFFFFFF;
	p2 =	slt.u32 s8, $0xFFFFF086  }
0x1c: {  	p1 =	slt.u32 s9, $0xF7A;
	s5 =	simm.s32 @!p2 $0x0  }
0x1d: {  	s5 =	simm.s32 @p1 $0x1;
	p0 =	seq.s32 s7, s2  }
0x1e: {  	s7 =	smul.u32 @!p0 $0xF7A, s2;
	p2 =	seq.s32 @!p0 s5, $0x0  }
0x1f: {  	s9 =	smul.u32 $0xF7A, s1;
	s8 =	simm.s32 @!p0 $0x1BF5;
	p2 =	por !p2, p0  }
0x20: {  	[sflag:s8] =	ssyncset.s32 @!p0 $0xFFFFF086;
	s6 =	sadd.s32 @!p0 s3, s7;
	s7 =	simm.s32 @!p0 $0x108  }
0x21: {  	s3 =	sadd.s32 s3, s9;
	s6 =	sadd.s32 @!p0 $0x88, s6;
	s7 =	simm.s32 @p2 $0x1082  }
0x22: {  	[simem:s7], [sflag:s8] =	dma.local @!p0 [hbm:s6], $0xF7A  }
0x23: {  	s9 =	sor.u32 $0xD0000000, s2;
	s6 =	simm.s32 $0x108;
	_ =	swait.ge @!p0 [sflag:s8], $0x0  }
0x24: {  	s3 =	sadd.s32 $0x88, s3;
	s6 =	simm.s32 @!p1 $0x1082;
	[sflag:s4] =	ssyncset.s32 $0xFFFFF086  }
0x25: {  	[simem:s6], [sflag:s4] =	dma.local [hbm:s3], $0xF7A  }
0x26: {  	[smem:$0x3F99] =	sst s1;
	(tag) =	ssettag s2;
	_ =	strace s9  }
0x27: {  	s1 =	sld [smem:$0x3FA9]  }
0x28: {  	s2 =	sld [smem:$0x3FAA]  }
0x29: {  	s4 =	sld [smem:$0x3FAC]  }
0x2a: {  	p0 =	seq.s32 s5, $0x0;
	s5 =	sld [smem:$0x3FAD]  }
0x2b: {  	s6 =	sld [smem:$0x3FAE]  }
0x2c: {  	s7 =	sld [smem:$0x3FAF]  }
0x2d: {  	s3 =	simm.s32 $0x108;
	s8 =	sld [smem:$0x3FB0]  }
0x2e: {  	s3 =	simm.s32 @!p0 $0x1082;
	s9 =	sld [smem:$0x3FB1]  }
0x2f: {  	lr =	sadd.s32 s0, s3;
	s0 =	sld [smem:$0x3FA8]  }
0x30: {  	s3 =	sld [smem:$0x3FAB]  }
0x31: {  	[smem:$0x3FB4] =	sst s10  }
0x32: {  	s10 =	sld [smem:$0x3FB2];
	_ =	sdelay $0x3  }
0x33: {  	p0 =	seq.s32 s10, $0x1;
	s10 =	sld [smem:$0x3FB4];
	_ =	sdelay $0x3  }
0x34: {  	[smem:$0x3FB4] =	sst s10  }
0x35: {  	s10 =	sld [smem:$0x3FB3];
	_ =	sdelay $0x3  }
0x36: {  	p1 =	seq.s32 s10, $0x1;
	s10 =	sld [smem:$0x3FB4];
	_ =	sdelay $0x3  }
0x37: {  	[smem:$0x3FB4] =	sst s10  }
0x38: {  	s10 =	sld [smem:$0x3FB5]  }
0x39: {  	_ = 	snop;
	(pc) =	sbr.ind lr, $3  }
0x3a: {  	_ = 	snop  }
0x3b: {  	_ = 	snop  }
0x3c: {  	p2 =	seq.s32 s10, $0x1;
	s10 =	sld [smem:$0x3FB4]  }
0x3d: {  	_ =	shalt  }
0x3e: {  	_ =	shalt  }
0x3f: {  	_ =	shalt  }
0x40: {  	_ =	shalt  }
0x41: {  	_ =	shalt  }
0x42: {  	_ =	shalt  }
0x43: {  	_ =	shalt  }
0x44: {  	_ =	shalt  }
0x45: {  	_ =	shalt  }
0x46: {  	_ =	shalt  }
0x47: {  	_ =	shalt  }
0x48: {  	_ =	shalt  }
0x49: {  	_ =	shalt  }
0x4a: {  	_ =	shalt  }
0x4b: {  	_ =	shalt  }
0x4c: {  	_ =	shalt  }
0x4d: {  	_ =	shalt  }
0x4e: {  	_ =	shalt  }
0x4f: {  	_ =	shalt  }
0x50: {  	_ =	shalt  }
0x51: {  	_ =	shalt  }
0x52: {  	_ =	shalt  }
0x53: {  	_ =	shalt  }
0x54: {  	_ =	shalt  }
0x55: {  	_ =	shalt  }
0x56: {  	_ =	shalt  }
0x57: {  	_ =	shalt  }
0x58: {  	_ =	shalt  }
0x59: {  	_ =	shalt  }
0x5a: {  	_ =	shalt  }
0x5b: {  	_ =	shalt  }
0x5c: {  	_ =	shalt  }
0x5d: {  	_ =	shalt  }
0x5e: {  	_ =	shalt  }
0x5f: {  	_ =	shalt  }
0x60: {  	_ =	shalt  }
0x61: {  	_ =	shalt  }
0x62: {  	_ =	shalt  }
0x63: {  	_ =	shalt  }
0x64: {  	_ =	shalt  }
0x65: {  	_ =	shalt  }
0x66: {  	_ =	shalt  }
0x67: {  	_ =	shalt  }
0x68: {  	_ =	shalt  }
0x69: {  	_ =	shalt  }
0x6a: {  	_ =	shalt  }
0x6b: {  	_ =	shalt  }
0x6c: {  	_ =	shalt  }
0x6d: {  	_ =	shalt  }
0x6e: {  	_ =	shalt  }
0x6f: {  	_ =	shalt  }
0x70: {  	_ =	shalt  }
0x71: {  	_ =	shalt  }
0x72: {  	_ =	shalt  }
0x73: {  	_ =	shalt  }
0x74: {  	_ =	shalt  }
0x75: {  	_ =	shalt  }
0x76: {  	_ =	shalt  }
0x77: {  	_ =	shalt  }
0x78: {  	_ =	shalt  }
0x79: {  	_ =	shalt  }
0x7a: {  	_ =	shalt  }
0x7b: {  	_ =	shalt  }
0x7c: {  	_ =	shalt  }
0x7d: {  	_ =	shalt  }
0x7e: {  	_ =	shalt  }
0x7f: {  	_ =	shalt  }
0x80: {  	_ =	shalt  }
0x81: {  	_ =	shalt  }
0x82: {  	_ =	shalt  }
0x83: {  	_ =	shalt  }
0x84: {  	_ =	shalt  }
0x85: {  	_ =	shalt  }
0x86: {  	_ =	shalt  }
0x87: {  	_ =	shalt  }
.Lfunc_end0:
.L_simem_size_0:
called_computation.1_lowered:
.L_overlay_start_0:
0x88: {  	s2 =	sld [smem:$0x3FD9]  }
0x89: {  	s3 =	sld [smem:$0x3FFE];
	_ =	sdelay $0x1  }
0x8a: {  	s1 =	srdreg.scid  }
0x8b: {  	s0 =	sand.u32 $0x1, s1  }
0x8c: {  	s17 =	sshll.u32 s0, $0xA;
	s2 =	sadd.s32 s3, s2  }
0x8d: {  	s2 =	sadd.s32 s2, s17  }
0x8e: {  	[smem:$0x3FC0] =	sst s2  }
0x8f: {  	_ = 	snop  }
0x90: {  	s2 =	sld [smem:$0x3FD0];
	(tm) =	ssettm $0x1  }
0x91: {  	s18 =	sld [smem:$0x3FFB];
	_ =	sdelay $0x3  }
0x92: {  	_ =	strace s18  }
0x93: {  	s3 =	sld [smem:$0x3FFC];
	_ =	sdelay $0x3  }
0x94: {  	_ =	strace s3  }
0x95: {  	s3 =	sld [smem:$0x3FFD];
	_ =	sdelay $0x3  }
0x96: {  	_ =	strace s3  }
0x97: {  	_ =	strace $0x8FFFFFFF  }
0x98: {  	s19 =	sld [smem:$0x3FDB];
	_ =	sdelay $0x1  }
0x99: {  	s4 =	simm.s32 $_scs_section_size  }
0x9a: {  	s5 =	simm.s32 $_size__tile_overlayer_lowered;
	s6 =	simm.s32 $_tile_overlayer_lowered  }
0x9b: {  	s22 =	simm.s32 $0x1BFF;
	s21 =	sshll.u32 s6, $0x1;
	s3 =	sadd.s32 s4, s19  }
0x9c: {  	s7 =	simm.s32 $0x0;
	s20 =	sshll.u32 s5, $0x1;
	s5 =	sadd.s32 s21, s3  }
0x9d: {  	[timem:s7], [sflag:s22] =	dma.local [hbm:s5], s20  }
0x9e: {  	_ =	swait.ge [sflag:s22], s20  }
0x9f: {  	s4 =	ssub.s32 $0x0, s20;
	[sflag:s22] =	ssyncset.done $0x0  }
0xa0: {  	[sflag:s22] =	ssyncadd.s32 s4;
	_ =	sdelay $0x1  }
0xa1: {  	s23 =	simm.s32 $0x1B8B  }
0xa2: {  	_ =	swait.ge [sflag:s23], $0x1  }
0xa3: {  	[sflag:s23] =	ssyncset.done $0x0  }
0xa4: {  	s25 =	simm.s32 $0x1B8E;
	s24 =	sld [smem:$0x3FFE];
	[sflag:s23] =	ssyncadd.s32 $0xFFFFFFFF  }
0xa5: {  	s26 =	simm.s32 $execute0_lowered;
	[smem:$0x3FD2] =	sst s25  }
0xa6: {  	s5 =	sshll.u32 s26, $0x1;
	_ =	strace $0x80000046;
	[dreg:$0x1] =	wrdreg $0xFFFFFFFF  }
0xa7: {  	s28 =	simm.s32 $_size_execute0_lowered;
	s3 =	sadd.s32 s3, s5;
	[dreg:$0x0] =	wrdreg $0x0  }
0xa8: {  	s5 =	sshll.u32 s28, $0x1;
	[dreg:$0x2] =	wrdreg s3  }
0xa9: {  	[dreg:$0x3] =	wrdreg s5  }
0xaa: {  	[dreg:$0x4] =	wrdreg $0xC0  }
0xab: {  	_ =	task [dreg:s7], $0x5FFFF  }
0xac: {  	[dreg:$0x1] =	wrdreg $0xFFFFFFFF  }
0xad: {  	[dreg:$0x0] =	wrdreg $0x60  }
0xae: {  	[dreg:$0x2] =	wrdreg s24  }
0xaf: {  	[dreg:$0x3] =	wrdreg s2  }
0xb0: {  	[dreg:$0x4] =	wrdreg $0x90000  }
0xb1: {  	[dreg:$0x5] =	wrdreg $0xA  }
0xb2: {  	_ =	task.clear_ibuf [dreg:s7], $0x6FFFF;
	_ =	strace $0x90000046  }
0xb3: {  	s29 =	simm.s32 $0xA;
	_ =	strace $0x80000048  }
0xb4: {  	_ =	swait.ge [sflag:s29], $0x1  }
0xb5: {  	[sflag:s29] =	ssyncadd.s32 $0xFFFFFFFF  }
0xb6: {  	_ =	strace $0x90000048  }
0xb7: {  	_ =	sfence  }
0xb8: {  	s30 =	sld [smem:$0x0];
	_ =	sdelay $0x2  }
0xb9: {  	s31 =	sshll.u32 s1, $0xD;
	s1 =	sshrl.u32 s1, $0x2  }
0xba: {  	s3 =	sand.u32 $0x4000, s31;
	s1 =	sadd.s32 s1, s30  }
0xbb: {  	s0 =	sor.u32 s3, s0;
	s1 =	sshll.u32 s1, $0x11  }
0xbc: {  	s0 =	sor.u32 s1, s0  }
0xbd: {  	s0 =	sadd.s32 $0x8F2B, s0  }
0xbe: {  	[sflag:s0] =	ssyncadd.remote.s32 $0x1  }
0xbf: {  	_ =	sfence.sel $0xFFFF  }
0xc0: {  	[dreg:$0x0] =	wrdreg $0xFFFFFFFF;
	(pc) =	sbr.abs _section_cstart, $3  }
0xc1: {  	[dreg:$0x1] =	wrdreg $0xFFFFFFFF  }
0xc2: {  	_ =	task.clear_ibuf [dreg:s7], $0x2FFFF;
	_ =	strace $0x9FFFFFFF  }
0xc3: {  	(tm) =	ssettm $0x7FFFFFFF  }
tec
execute0_lowered:
.L_overlay_start_1:
0x0: {  	(tag) =	ssettag $0x1  }
0x1: {  	s6 =	rddreg [dreg:$0x0]  }
0x2: {  	s7 =	rddreg [dreg:$0x1]  }
0x3: {  	s2 =	rddreg [dreg:$0x2];
	s3 =	srdreg.scid  }
0x4: {  	s0 =	rddreg [dreg:$0x3];
	s1 =	stileid.u32;
	s15 =	simm.s32 $0x5000  }
0x5: {  	s16 =	simm.s32 $0x1;
	s17 =	simm.s32 $0x0;
	s10 =	smul.u32 $0x14000, s1  }
0x6: {  	s8 =	sand.u32 $0x1, s3;
	s3 =	simm.s32 $0x0;
	s29 =	smul.u32 $0x50000, s1  }
0x7: {  	s4 =	sshll.u32 s1, $0x1;
	s31 =	sshll.u32 s1, $0x6;
	s9 =	smul.u32 $0x140000, s8  }
0x8: {  	[smem:$0x7FF] =	sst s3;
	s5 =	sor.u32 s8, s4;
	s4 =	sadd.s32 $0x2400, s6  }
0x9: {  	s8 =	ssub.s32 $0x2, s8;
	_ =	strace $0x80000047;
	s11 =	smul.u32 $0x500, s5  }
0xa: {  	s5 =	sadd.s32 $0x34400, s6;
	s30 =	sshrl.u32 s8, $0x1;
	s9 =	sadd.s32 s10, s9  }
0xb: {  	s10 =	sshrl.u32 s29, $0x2;
	s13 =	ssub.s32 s8, s30;
	s12 =	sadd.s32 s11, s6  }
0xc: {  	s9 =	sshrl.u32 s9, $0x3;
	s14 =	sadd.s32 s10, s2;
	s7 =	sadd.s32 s7, s11  }
0xd: {  	s10 =	smax.u32 s13, $0x1;
	s13 =	simm.s32 $0x2800;
	s9 =	sadd.s32 s9, s6  }
0xe: {  	s6 =	sor.u32 $0x1C02, s31;
	s8 =	sadd.s32 $0x2A400, s12;
	s11 =	sshrl.u32 s14, $0x3  }
0xf: {  	s12 =	simm.s32 $0x2;
	s14 =	simm.s32 $0x80;
	s9 =	sadd.s32 $0x36C00, s9  }
.LBB2_1:
0x10: {  	[spmem:s11], [sflag:s6] =	dma.local [hbm:s5], $0x2800  }
0x11: {  	_ =	swait.ge [sflag:s12], $0x2800  }
0x12: {  	[sflag:s12] =	ssyncset.done $0x0  }
0x13: {  	[sflag:s12] =	ssyncadd.s32 $0xFFFFD800  }
0x14: {  	[tilespmem:s3], [sflag:$0x2] =	stream.linear.gather [hbm4b:s7+s3], $0x2800, $0x38;
	[tilespmem:$0x1D000] =	vst v63  }
0x15: {  	_ =	swait.ge [sflag:s12], $0x2800  }
0x16: {  	[sflag:s12] =	ssyncset.done $0x0  }
0x17: {  	[sflag:s12] =	ssyncadd.s32 $0xFFFFD800  }
0x18: {  	[tilespmem:s13], [sflag:$0x2] =	stream.linear.gather [hbm4b:s8+s3], $0x2800, $0x38;
	[tilespmem:$0x1D000] =	vst v63  }
0x19: {  	_ =	swait.ge [sflag:s12], $0x2800  }
0x1a: {  	[sflag:s12] =	ssyncset.done $0x0  }
0x1b: {  	[sflag:s12] =	ssyncadd.s32 $0xFFFFD800  }
0x1c: {  	s18 =	simm.s32 $0x0;
	[bflag:$0x0] =	sbarrier.arrive $0xFFFF  }
0x1d: {  	[tilespmem:s15], [sflag:$0x1] =	stream.indirect.gather [hbm4b:s4+s14], $0x80, s18, s14, $0xb8;
	[tilespmem:$0x1D000] =	vst v63  }
0x1e: {  	_ =	swait.ge [sflag:s16], $0x4000  }
0x1f: {  	[sflag:s16] =	ssyncset.done $0x0  }
0x20: {  	s31 =	simm.s32 $0x2800;
	[sflag:s16] =	ssyncadd.s32 $0xFFFFC000  }
0x21: {  	[spmem:s2] =	stream.indirect.scatter.add.f32 [tilespmem:s15], [sflag:$0x2], $0x80, s31, s14, $0xb8;
	[tilespmem:$0x1D000] =	vst v63  }
0x22: {  	_ =	swait.ge [sflag:s12], $0x4000  }
0x23: {  	s19 =	simm.s32 $0x400;
	s18 =	simm.s32 $0x200;
	[sflag:s12] =	ssyncset.done $0x0  }
.LBB2_2:
0x24: {  	s20 =	sshra.s32 s18, $0x2  }
0x25: {  	[sflag:s12] =	ssyncadd.s32 $0xFFFFC000;
	s18 =	smov.u32 s19;
	s21 =	sadd.s32 $0x200, s19  }
0x26: {  	[tilespmem:s15], [sflag:$0x1] =	stream.indirect.gather [hbm4b:s4+s14], $0x80, s20, s14, $0xb8;
	[tilespmem:$0x1D000] =	vst v63  }
0x27: {  	p0 =	sne.s32 s19, $0x9E00;
	_ =	swait.ge [sflag:s16], $0x4000  }
.Ltmp0:
0x28: {  	[sflag:s16] =	ssyncset.done $0x0;
	(pc) =	sbr.rel @p0 .LBB2_2-.Ltmp0, $4  }
0x29: {  	s19 =	sadd.s32 $0x2800, s20;
	[sflag:s16] =	ssyncadd.s32 $0xFFFFC000  }
0x2a: {  	[spmem:s2] =	stream.indirect.scatter.add.f32 [tilespmem:s15], [sflag:$0x2], $0x80, s19, s14, $0xb8;
	[tilespmem:$0x1D000] =	vst v63  }
0x2b: {  	_ =	swait.ge [sflag:s12], $0x4000  }
0x2c: {  	s19 =	smov.u32 s21;
	[sflag:s12] =	ssyncset.done $0x0  }
0x2d: {  	s18 =	sshra.s32 s18, $0x2;
	[sflag:s12] =	ssyncadd.s32 $0xFFFFC000  }
0x2e: {  	[tilespmem:s15], [sflag:$0x1] =	stream.indirect.gather [hbm4b:s4+s14], $0x80, s18, s14, $0xb8;
	[tilespmem:$0x1D000] =	vst v63  }
0x2f: {  	_ =	swait.ge [sflag:s16], $0x4000  }
0x30: {  	[sflag:s16] =	ssyncset.done $0x0  }
0x31: {  	s18 =	sadd.s32 $0x2800, s18;
	[sflag:s16] =	ssyncadd.s32 $0xFFFFC000  }
0x32: {  	[spmem:s2] =	stream.indirect.scatter.add.f32 [tilespmem:s15], [sflag:$0x2], $0x80, s18, s14, $0xb8;
	[tilespmem:$0x1D000] =	vst v63  }
0x33: {  	_ =	swait.ge [sflag:s12], $0x4000  }
0x34: {  	s17 =	sadd.s32 $0x1, s17;
	[sflag:s12] =	ssyncset.done $0x0  }
0x35: {  	p0 =	sne.s32 s17, s10;
	[sflag:s12] =	ssyncadd.s32 $0xFFFFC000  }
.Ltmp1:
0x36: {  	[bflag:$0x0] =	sbarrier.arrive $0xFFFF;
	(pc) =	sbr.rel @p0 .LBB2_1-.Ltmp1, $4  }
0x37: {  	[hbm:s9], [sflag:s6] =	dma.local [spmem:s11], $0x2800  }
0x38: {  	_ =	swait.ge [sflag:s12], $0x2800  }
0x39: {  	[sflag:s12] =	ssyncset.done $0x0  }
0x3a: {  	[sflag:s12] =	ssyncadd.s32 $0xFFFFD800  }
0x3b: {  	_ =	sfence.sel $0x180000  }
0x3c: {  	[bflag:$0x0] =	sbarrier.arrive $0xFFFF  }
0x3d: {  	p0 =	sne.s32 s1, $0x0;
	_ =	strace $0x90000047  }
0x3e: {  	s0 =	sadd.s32 @!p0 $0x100000, s0;
	[bflag:$0x2] =	sbarrier.arrive $0xFFFF  }
0x3f: {  	[sflag:s0] =	ssyncadd.tile.s32 @!p0 $0x1;
	_ =	shalt  }
.Lfunc_end2:
_tile_overlayer_lowered:
.L_overlay_start_2:
0x40: {  	(tag) =	ssettag $0x2  }
0x41: {  	s0 =	rddreg [dreg:$0x0];
	s2 =	stileid.u32  }
0x42: {  	s1 =	rddreg [dreg:$0x1];
	p0 =	sne.s32 s2, $0x0  }
0x43: {  	s3 =	rddreg [dreg:$0x2];
	[bflag:$0x3] =	sbarrier.arrive $0xFFFF;
	s2 =	simm.s32 @!p0 $0x1C02  }
0x44: {  	[timem:s3], [sflag:s2] =	dma.local @!p0 [hbm:s0], s1  }
0x45: {  	s0 =	simm.s32 @!p0 $0x2  }
0x46: {  	_ =	swait.ge @!p0 [sflag:s0], s1  }
0x47: {  	s1 =	ssub.s32 @!p0 $0x0, s1;
	[sflag:s0] =	ssyncset.done @!p0 $0x0  }
0x48: {  	[sflag:s0] =	ssyncadd.s32 @!p0 s1  }
0x49: {  	[bflag:$0x3] =	sbarrier.arrive $0xFFFF  }
0x4a: {  	_ =	shalt  }

// kernel: kernel.13.cloned.1.call-start
scs
__scs_entry_jumppad:
0x0: {  	(pc) =	sbr.rel $0x88, $3  }
0x1: {  	(tag) =	ssettag $0x0;
	lr =	simm.s32 $0x1  }
0x2: {  	[smem:$0x3F99] =	sst lr;
	_ =	strace $0xD0000000  }
0x3: {  	_ = 	snop  }
0x4: {  	_ = 	snop  }
0x5: {  	_ = 	snop  }
0x6: {  	_ = 	snop  }
0x7: {  	_ = 	snop  }
__scs_overlays_trampoline_lowered:
0x8: {  	[smem:$0x3FA8] =	sst s0  }
0x9: {  	[smem:$0x3FA9] =	sst s1  }
0xa: {  	[smem:$0x3FAA] =	sst s2  }
0xb: {  	[smem:$0x3FAB] =	sst s3  }
0xc: {  	[smem:$0x3FAC] =	sst s4  }
0xd: {  	[smem:$0x3FAD] =	sst s5  }
0xe: {  	[smem:$0x3FAE] =	sst s6  }
0xf: {  	[smem:$0x3FAF] =	sst s7  }
0x10: {  	[smem:$0x3FB0] =	sst s8  }
0x11: {  	[smem:$0x3FB1] =	sst s9;
	s0 =	simm.s32 @!p0 $0x0  }
0x12: {  	s1 =	sld [smem:$0x3F97];
	s0 =	simm.s32 @p0 $0x1  }
0x13: {  	[smem:$0x3FB2] =	sst s0;
	s0 =	simm.s32 @!p1 $0x0  }
0x14: {  	s2 =	sld [smem:$0x3F96];
	s0 =	simm.s32 @p1 $0x1  }
0x15: {  	[smem:$0x3FB3] =	sst s0;
	s0 =	simm.s32 @!p2 $0x0  }
0x16: {  	s3 =	sld [smem:$0x3FDB];
	s0 =	simm.s32 @p2 $0x1  }
0x17: {  	s4 =	simm.s32 $0x1BF5;
	[smem:$0x3FB5] =	sst s0  }
0x18: {  	s0 =	sld [smem:$0x3F98];
	_ =	swait.ge [sflag:s4], $0x0  }
0x19: {  	s7 =	sld [smem:$0x3F99]  }
0x1a: {  	s8 =	sadd.s32 $0xFFFFE003, lr  }
0x1b: {  	s9 =	sadd.s32 $0xFFFFFEF7, lr;
	s5 =	simm.s32 $0xFFFFFFFF;
	p2 =	slt.u32 s8, $0xFFFFF086  }
0x1c: {  	p1 =	slt.u32 s9, $0xF7A;
	s5 =	simm.s32 @!p2 $0x0  }
0x1d: {  	s5 =	simm.s32 @p1 $0x1;
	p0 =	seq.s32 s7, s2  }
0x1e: {  	s7 =	smul.u32 @!p0 $0xF7A, s2;
	p2 =	seq.s32 @!p0 s5, $0x0  }
0x1f: {  	s9 =	smul.u32 $0xF7A, s1;
	s8 =	simm.s32 @!p0 $0x1BF5;
	p2 =	por !p2, p0  }
0x20: {  	[sflag:s8] =	ssyncset.s32 @!p0 $0xFFFFF086;
	s6 =	sadd.s32 @!p0 s3, s7;
	s7 =	simm.s32 @!p0 $0x108  }
0x21: {  	s3 =	sadd.s32 s3, s9;
	s6 =	sadd.s32 @!p0 $0x88, s6;
	s7 =	simm.s32 @p2 $0x1082  }
0x22: {  	[simem:s7], [sflag:s8] =	dma.local @!p0 [hbm:s6], $0xF7A  }
0x23: {  	s9 =	sor.u32 $0xD0000000, s2;
	s6 =	simm.s32 $0x108;
	_ =	swait.ge @!p0 [sflag:s8], $0x0  }
0x24: {  	s3 =	sadd.s32 $0x88, s3;
	s6 =	simm.s32 @!p1 $0x1082;
	[sflag:s4] =	ssyncset.s32 $0xFFFFF086  }
0x25: {  	[simem:s6], [sflag:s4] =	dma.local [hbm:s3], $0xF7A  }
0x26: {  	[smem:$0x3F99] =	sst s1;
	(tag) =	ssettag s2;
	_ =	strace s9  }
0x27: {  	s1 =	sld [smem:$0x3FA9]  }
0x28: {  	s2 =	sld [smem:$0x3FAA]  }
0x29: {  	s4 =	sld [smem:$0x3FAC]  }
0x2a: {  	p0 =	seq.s32 s5, $0x0;
	s5 =	sld [smem:$0x3FAD]  }
0x2b: {  	s6 =	sld [smem:$0x3FAE]  }
0x2c: {  	s7 =	sld [smem:$0x3FAF]  }
0x2d: {  	s3 =	simm.s32 $0x108;
	s8 =	sld [smem:$0x3FB0]  }
0x2e: {  	s3 =	simm.s32 @!p0 $0x1082;
	s9 =	sld [smem:$0x3FB1]  }
0x2f: {  	lr =	sadd.s32 s0, s3;
	s0 =	sld [smem:$0x3FA8]  }
0x30: {  	s3 =	sld [smem:$0x3FAB]  }
0x31: {  	[smem:$0x3FB4] =	sst s10  }
0x32: {  	s10 =	sld [smem:$0x3FB2];
	_ =	sdelay $0x3  }
0x33: {  	p0 =	seq.s32 s10, $0x1;
	s10 =	sld [smem:$0x3FB4];
	_ =	sdelay $0x3  }
0x34: {  	[smem:$0x3FB4] =	sst s10  }
0x35: {  	s10 =	sld [smem:$0x3FB3];
	_ =	sdelay $0x3  }
0x36: {  	p1 =	seq.s32 s10, $0x1;
	s10 =	sld [smem:$0x3FB4];
	_ =	sdelay $0x3  }
0x37: {  	[smem:$0x3FB4] =	sst s10  }
0x38: {  	s10 =	sld [smem:$0x3FB5]  }
0x39: {  	_ = 	snop;
	(pc) =	sbr.ind lr, $3  }
0x3a: {  	_ = 	snop  }
0x3b: {  	_ = 	snop  }
0x3c: {  	p2 =	seq.s32 s10, $0x1;
	s10 =	sld [smem:$0x3FB4]  }
0x3d: {  	_ =	shalt  }
0x3e: {  	_ =	shalt  }
0x3f: {  	_ =	shalt  }
0x40: {  	_ =	shalt  }
0x41: {  	_ =	shalt  }
0x42: {  	_ =	shalt  }
0x43: {  	_ =	shalt  }
0x44: {  	_ =	shalt  }
0x45: {  	_ =	shalt  }
0x46: {  	_ =	shalt  }
0x47: {  	_ =	shalt  }
0x48: {  	_ =	shalt  }
0x49: {  	_ =	shalt  }
0x4a: {  	_ =	shalt  }
0x4b: {  	_ =	shalt  }
0x4c: {  	_ =	shalt  }
0x4d: {  	_ =	shalt  }
0x4e: {  	_ =	shalt  }
0x4f: {  	_ =	shalt  }
0x50: {  	_ =	shalt  }
0x51: {  	_ =	shalt  }
0x52: {  	_ =	shalt  }
0x53: {  	_ =	shalt  }
0x54: {  	_ =	shalt  }
0x55: {  	_ =	shalt  }
0x56: {  	_ =	shalt  }
0x57: {  	_ =	shalt  }
0x58: {  	_ =	shalt  }
0x59: {  	_ =	shalt  }
0x5a: {  	_ =	shalt  }
0x5b: {  	_ =	shalt  }
0x5c: {  	_ =	shalt  }
0x5d: {  	_ =	shalt  }
0x5e: {  	_ =	shalt  }
0x5f: {  	_ =	shalt  }
0x60: {  	_ =	shalt  }
0x61: {  	_ =	shalt  }
0x62: {  	_ =	shalt  }
0x63: {  	_ =	shalt  }
0x64: {  	_ =	shalt  }
0x65: {  	_ =	shalt  }
0x66: {  	_ =	shalt  }
0x67: {  	_ =	shalt  }
0x68: {  	_ =	shalt  }
0x69: {  	_ =	shalt  }
0x6a: {  	_ =	shalt  }
0x6b: {  	_ =	shalt  }
0x6c: {  	_ =	shalt  }
0x6d: {  	_ =	shalt  }
0x6e: {  	_ =	shalt  }
0x6f: {  	_ =	shalt  }
0x70: {  	_ =	shalt  }
0x71: {  	_ =	shalt  }
0x72: {  	_ =	shalt  }
0x73: {  	_ =	shalt  }
0x74: {  	_ =	shalt  }
0x75: {  	_ =	shalt  }
0x76: {  	_ =	shalt  }
0x77: {  	_ =	shalt  }
0x78: {  	_ =	shalt  }
0x79: {  	_ =	shalt  }
0x7a: {  	_ =	shalt  }
0x7b: {  	_ =	shalt  }
0x7c: {  	_ =	shalt  }
0x7d: {  	_ =	shalt  }
0x7e: {  	_ =	shalt  }
0x7f: {  	_ =	shalt  }
0x80: {  	_ =	shalt  }
0x81: {  	_ =	shalt  }
0x82: {  	_ =	shalt  }
0x83: {  	_ =	shalt  }
0x84: {  	_ =	shalt  }
0x85: {  	_ =	shalt  }
0x86: {  	_ =	shalt  }
0x87: {  	_ =	shalt  }
.Lfunc_end0:
.L_simem_size_0:
called_computation.2_lowered:
.L_overlay_start_0:
0x88: {  	s2 =	sld [smem:$0x3FD9]  }
0x89: {  	s3 =	sld [smem:$0x3FFE];
	_ =	sdelay $0x1  }
0x8a: {  	s1 =	srdreg.scid  }
0x8b: {  	s0 =	sand.u32 $0x1, s1  }
0x8c: {  	s17 =	sshll.u32 s0, $0xA;
	s2 =	sadd.s32 s3, s2  }
0x8d: {  	s2 =	sadd.s32 s2, s17  }
0x8e: {  	[smem:$0x3FC0] =	sst s2  }
0x8f: {  	_ = 	snop  }
0x90: {  	s2 =	sld [smem:$0x3FD0];
	(tm) =	ssettm $0x1  }
0x91: {  	s18 =	sld [smem:$0x3FFB];
	_ =	sdelay $0x3  }
0x92: {  	_ =	strace s18  }
0x93: {  	s3 =	sld [smem:$0x3FFC];
	_ =	sdelay $0x3  }
0x94: {  	_ =	strace s3  }
0x95: {  	s3 =	sld [smem:$0x3FFD];
	_ =	sdelay $0x3  }
0x96: {  	_ =	strace s3  }
0x97: {  	_ =	strace $0x8FFFFFFF  }
0x98: {  	s19 =	sld [smem:$0x3FDB];
	_ =	sdelay $0x1  }
0x99: {  	s4 =	simm.s32 $_scs_section_size  }
0x9a: {  	s5 =	simm.s32 $_size__tile_overlayer_lowered;
	s6 =	simm.s32 $_tile_overlayer_lowered  }
0x9b: {  	s22 =	simm.s32 $0x1BFF;
	s21 =	sshll.u32 s6, $0x1;
	s3 =	sadd.s32 s4, s19  }
0x9c: {  	s7 =	simm.s32 $0x0;
	s20 =	sshll.u32 s5, $0x1;
	s5 =	sadd.s32 s21, s3  }
0x9d: {  	[timem:s7], [sflag:s22] =	dma.local [hbm:s5], s20  }
0x9e: {  	_ =	swait.ge [sflag:s22], s20  }
0x9f: {  	s4 =	ssub.s32 $0x0, s20;
	[sflag:s22] =	ssyncset.done $0x0  }
0xa0: {  	[sflag:s22] =	ssyncadd.s32 s4;
	_ =	sdelay $0x1  }
0xa1: {  	s23 =	simm.s32 $0x1B8B  }
0xa2: {  	_ =	swait.ge [sflag:s23], $0x1  }
0xa3: {  	[sflag:s23] =	ssyncset.done $0x0  }
0xa4: {  	s25 =	simm.s32 $0x1B8E;
	s24 =	sld [smem:$0x3FFE];
	[sflag:s23] =	ssyncadd.s32 $0xFFFFFFFF  }
0xa5: {  	s26 =	simm.s32 $execute0_lowered;
	[smem:$0x3FD2] =	sst s25  }
0xa6: {  	s5 =	sshll.u32 s26, $0x1;
	_ =	strace $0x8000004C;
	[dreg:$0x1] =	wrdreg $0xFFFFFFFF  }
0xa7: {  	s28 =	simm.s32 $_size_execute0_lowered;
	s3 =	sadd.s32 s3, s5;
	[dreg:$0x0] =	wrdreg $0x0  }
0xa8: {  	s5 =	sshll.u32 s28, $0x1;
	[dreg:$0x2] =	wrdreg s3  }
0xa9: {  	[dreg:$0x3] =	wrdreg s5  }
0xaa: {  	[dreg:$0x4] =	wrdreg $0xC0  }
0xab: {  	_ =	task [dreg:s7], $0x5FFFF  }
0xac: {  	[dreg:$0x1] =	wrdreg $0xFFFFFFFF  }
0xad: {  	[dreg:$0x0] =	wrdreg $0x60  }
0xae: {  	[dreg:$0x2] =	wrdreg s24  }
0xaf: {  	[dreg:$0x3] =	wrdreg s2  }
0xb0: {  	[dreg:$0x4] =	wrdreg $0x90000  }
0xb1: {  	[dreg:$0x5] =	wrdreg $0x9  }
0xb2: {  	_ =	task.clear_ibuf [dreg:s7], $0x6FFFF;
	_ =	strace $0x9000004C  }
0xb3: {  	s29 =	simm.s32 $0x9;
	_ =	strace $0x8000004E  }
0xb4: {  	_ =	swait.ge [sflag:s29], $0x1  }
0xb5: {  	[sflag:s29] =	ssyncadd.s32 $0xFFFFFFFF  }
0xb6: {  	_ =	strace $0x9000004E  }
0xb7: {  	_ =	sfence  }
0xb8: {  	s30 =	sld [smem:$0x0];
	_ =	sdelay $0x2  }
0xb9: {  	s31 =	sshll.u32 s1, $0xD;
	s1 =	sshrl.u32 s1, $0x2  }
0xba: {  	s3 =	sand.u32 $0x4000, s31;
	s1 =	sadd.s32 s1, s30  }
0xbb: {  	s0 =	sor.u32 s3, s0;
	s1 =	sshll.u32 s1, $0x11  }
0xbc: {  	s0 =	sor.u32 s1, s0  }
0xbd: {  	s0 =	sadd.s32 $0x8F2B, s0  }
0xbe: {  	[sflag:s0] =	ssyncadd.remote.s32 $0x1  }
0xbf: {  	_ =	sfence.sel $0xFFFF  }
0xc0: {  	[dreg:$0x0] =	wrdreg $0xFFFFFFFF;
	(pc) =	sbr.abs _section_cstart, $3  }
0xc1: {  	[dreg:$0x1] =	wrdreg $0xFFFFFFFF  }
0xc2: {  	_ =	task.clear_ibuf [dreg:s7], $0x2FFFF;
	_ =	strace $0x9FFFFFFF  }
0xc3: {  	(tm) =	ssettm $0x7FFFFFFF  }
tec
execute0_lowered:
.L_overlay_start_1:
0x0: {  	(tag) =	ssettag $0x1  }
0x1: {  	s6 =	rddreg [dreg:$0x0]  }
0x2: {  	s7 =	rddreg [dreg:$0x1]  }
0x3: {  	s2 =	rddreg [dreg:$0x2];
	s3 =	srdreg.scid  }
0x4: {  	s0 =	rddreg [dreg:$0x3];
	s1 =	stileid.u32;
	s15 =	simm.s32 $0x5000  }
0x5: {  	s16 =	simm.s32 $0x1;
	s17 =	simm.s32 $0x0;
	s10 =	smul.u32 $0x14000, s1  }
0x6: {  	s8 =	sand.u32 $0x1, s3;
	s3 =	simm.s32 $0x0;
	s29 =	smul.u32 $0x50000, s1  }
0x7: {  	s4 =	sshll.u32 s1, $0x1;
	s31 =	sshll.u32 s1, $0x6;
	s9 =	smul.u32 $0x140000, s8  }
0x8: {  	[smem:$0x7FF] =	sst s3;
	s5 =	sor.u32 s8, s4;
	s4 =	sadd.s32 $0x2400, s6  }
0x9: {  	s8 =	ssub.s32 $0x2, s8;
	_ =	strace $0x8000004D;
	s11 =	smul.u32 $0x500, s5  }
0xa: {  	s5 =	sadd.s32 $0x34400, s6;
	s30 =	sshrl.u32 s8, $0x1;
	s9 =	sadd.s32 s10, s9  }
0xb: {  	s10 =	sshrl.u32 s29, $0x2;
	s13 =	ssub.s32 s8, s30;
	s12 =	sadd.s32 s11, s6  }
0xc: {  	s9 =	sshrl.u32 s9, $0x3;
	s14 =	sadd.s32 s10, s2;
	s7 =	sadd.s32 s7, s11  }
0xd: {  	s10 =	smax.u32 s13, $0x1;
	s13 =	simm.s32 $0x2800;
	s9 =	sadd.s32 s9, s6  }
0xe: {  	s6 =	sor.u32 $0x1C02, s31;
	s8 =	sadd.s32 $0x2A400, s12;
	s11 =	sshrl.u32 s14, $0x3  }
0xf: {  	s12 =	simm.s32 $0x2;
	s14 =	simm.s32 $0x80;
	s9 =	sadd.s32 $0x36C00, s9  }
.LBB2_1:
0x10: {  	[spmem:s11], [sflag:s6] =	dma.local [hbm:s5], $0x2800  }
0x11: {  	_ =	swait.ge [sflag:s12], $0x2800  }
0x12: {  	[sflag:s12] =	ssyncset.done $0x0  }
0x13: {  	[sflag:s12] =	ssyncadd.s32 $0xFFFFD800  }
0x14: {  	[tilespmem:s3], [sflag:$0x2] =	stream.linear.gather [hbm4b:s7+s3], $0x2800, $0x38;
	[tilespmem:$0x1D000] =	vst v63  }
0x15: {  	_ =	swait.ge [sflag:s12], $0x2800  }
0x16: {  	[sflag:s12] =	ssyncset.done $0x0  }
0x17: {  	[sflag:s12] =	ssyncadd.s32 $0xFFFFD800  }
0x18: {  	[tilespmem:s13], [sflag:$0x2] =	stream.linear.gather [hbm4b:s8+s3], $0x2800, $0x38;
	[tilespmem:$0x1D000] =	vst v63  }
0x19: {  	_ =	swait.ge [sflag:s12], $0x2800  }
0x1a: {  	[sflag:s12] =	ssyncset.done $0x0  }
0x1b: {  	[sflag:s12] =	ssyncadd.s32 $0xFFFFD800  }
0x1c: {  	s18 =	simm.s32 $0x0;
	[bflag:$0x0] =	sbarrier.arrive $0xFFFF  }
0x1d: {  	[tilespmem:s15], [sflag:$0x1] =	stream.indirect.gather [hbm4b:s4+s14], $0x80, s18, s14, $0xb8;
	[tilespmem:$0x1D000] =	vst v63  }
0x1e: {  	_ =	swait.ge [sflag:s16], $0x4000  }
0x1f: {  	[sflag:s16] =	ssyncset.done $0x0  }
0x20: {  	s31 =	simm.s32 $0x2800;
	[sflag:s16] =	ssyncadd.s32 $0xFFFFC000  }
0x21: {  	[spmem:s2] =	stream.indirect.scatter.add.f32 [tilespmem:s15], [sflag:$0x2], $0x80, s31, s14, $0xb8;
	[tilespmem:$0x1D000] =	vst v63  }
0x22: {  	_ =	swait.ge [sflag:s12], $0x4000  }
0x23: {  	s19 =	simm.s32 $0x400;
	s18 =	simm.s32 $0x200;
	[sflag:s12] =	ssyncset.done $0x0  }
.LBB2_2:
0x24: {  	s20 =	sshra.s32 s18, $0x2  }
0x25: {  	[sflag:s12] =	ssyncadd.s32 $0xFFFFC000;
	s18 =	smov.u32 s19;
	s21 =	sadd.s32 $0x200, s19  }
0x26: {  	[tilespmem:s15], [sflag:$0x1] =	stream.indirect.gather [hbm4b:s4+s14], $0x80, s20, s14, $0xb8;
	[tilespmem:$0x1D000] =	vst v63  }
0x27: {  	p0 =	sne.s32 s19, $0x9E00;
	_ =	swait.ge [sflag:s16], $0x4000  }
.Ltmp0:
0x28: {  	[sflag:s16] =	ssyncset.done $0x0;
	(pc) =	sbr.rel @p0 .LBB2_2-.Ltmp0, $4  }
0x29: {  	s19 =	sadd.s32 $0x2800, s20;
	[sflag:s16] =	ssyncadd.s32 $0xFFFFC000  }
0x2a: {  	[spmem:s2] =	stream.indirect.scatter.add.f32 [tilespmem:s15], [sflag:$0x2], $0x80, s19, s14, $0xb8;
	[tilespmem:$0x1D000] =	vst v63  }
0x2b: {  	_ =	swait.ge [sflag:s12], $0x4000  }
0x2c: {  	s19 =	smov.u32 s21;
	[sflag:s12] =	ssyncset.done $0x0  }
0x2d: {  	s18 =	sshra.s32 s18, $0x2;
	[sflag:s12] =	ssyncadd.s32 $0xFFFFC000  }
0x2e: {  	[tilespmem:s15], [sflag:$0x1] =	stream.indirect.gather [hbm4b:s4+s14], $0x80, s18, s14, $0xb8;
	[tilespmem:$0x1D000] =	vst v63  }
0x2f: {  	_ =	swait.ge [sflag:s16], $0x4000  }
0x30: {  	[sflag:s16] =	ssyncset.done $0x0  }
0x31: {  	s18 =	sadd.s32 $0x2800, s18;
	[sflag:s16] =	ssyncadd.s32 $0xFFFFC000  }
0x32: {  	[spmem:s2] =	stream.indirect.scatter.add.f32 [tilespmem:s15], [sflag:$0x2], $0x80, s18, s14, $0xb8;
	[tilespmem:$0x1D000] =	vst v63  }
0x33: {  	_ =	swait.ge [sflag:s12], $0x4000  }
0x34: {  	s17 =	sadd.s32 $0x1, s17;
	[sflag:s12] =	ssyncset.done $0x0  }
0x35: {  	p0 =	sne.s32 s17, s10;
	[sflag:s12] =	ssyncadd.s32 $0xFFFFC000  }
.Ltmp1:
0x36: {  	[bflag:$0x0] =	sbarrier.arrive $0xFFFF;
	(pc) =	sbr.rel @p0 .LBB2_1-.Ltmp1, $4  }
0x37: {  	[hbm:s9], [sflag:s6] =	dma.local [spmem:s11], $0x2800  }
0x38: {  	_ =	swait.ge [sflag:s12], $0x2800  }
0x39: {  	[sflag:s12] =	ssyncset.done $0x0  }
0x3a: {  	[sflag:s12] =	ssyncadd.s32 $0xFFFFD800  }
0x3b: {  	_ =	sfence.sel $0x180000  }
0x3c: {  	[bflag:$0x0] =	sbarrier.arrive $0xFFFF  }
0x3d: {  	p0 =	sne.s32 s1, $0x0;
	_ =	strace $0x9000004D  }
0x3e: {  	s0 =	sadd.s32 @!p0 $0x100000, s0;
	[bflag:$0x2] =	sbarrier.arrive $0xFFFF  }
0x3f: {  	[sflag:s0] =	ssyncadd.tile.s32 @!p0 $0x1;
	_ =	shalt  }
.Lfunc_end2:
_tile_overlayer_lowered:
.L_overlay_start_2:
0x40: {  	(tag) =	ssettag $0x2  }
0x41: {  	s0 =	rddreg [dreg:$0x0];
	s2 =	stileid.u32  }
0x42: {  	s1 =	rddreg [dreg:$0x1];
	p0 =	sne.s32 s2, $0x0  }
0x43: {  	s3 =	rddreg [dreg:$0x2];
	[bflag:$0x3] =	sbarrier.arrive $0xFFFF;
	s2 =	simm.s32 @!p0 $0x1C02  }
0x44: {  	[timem:s3], [sflag:s2] =	dma.local @!p0 [hbm:s0], s1  }
0x45: {  	s0 =	simm.s32 @!p0 $0x2  }
0x46: {  	_ =	swait.ge @!p0 [sflag:s0], s1  }
0x47: {  	s1 =	ssub.s32 @!p0 $0x0, s1;
	[sflag:s0] =	ssyncset.done @!p0 $0x0  }
0x48: {  	[sflag:s0] =	ssyncadd.s32 @!p0 s1  }
0x49: {  	[bflag:$0x3] =	sbarrier.arrive $0xFFFF  }
0x4a: {  	_ =	shalt  }

// kernel: kernel.7.cloned.1.call-start
scs
__scs_entry_jumppad:
0x0: {  	(pc) =	sbr.rel $0x88, $3  }
0x1: {  	(tag) =	ssettag $0x0;
	lr =	simm.s32 $0x1  }
0x2: {  	[smem:$0x3F99] =	sst lr;
	_ =	strace $0xD0000000  }
0x3: {  	_ = 	snop  }
0x4: {  	_ = 	snop  }
0x5: {  	_ = 	snop  }
0x6: {  	_ = 	snop  }
0x7: {  	_ = 	snop  }
__scs_overlays_trampoline_lowered:
0x8: {  	[smem:$0x3FA8] =	sst s0  }
0x9: {  	[smem:$0x3FA9] =	sst s1  }
0xa: {  	[smem:$0x3FAA] =	sst s2  }
0xb: {  	[smem:$0x3FAB] =	sst s3  }
0xc: {  	[smem:$0x3FAC] =	sst s4  }
0xd: {  	[smem:$0x3FAD] =	sst s5  }
0xe: {  	[smem:$0x3FAE] =	sst s6  }
0xf: {  	[smem:$0x3FAF] =	sst s7  }
0x10: {  	[smem:$0x3FB0] =	sst s8  }
0x11: {  	[smem:$0x3FB1] =	sst s9;
	s0 =	simm.s32 @!p0 $0x0  }
0x12: {  	s1 =	sld [smem:$0x3F97];
	s0 =	simm.s32 @p0 $0x1  }
0x13: {  	[smem:$0x3FB2] =	sst s0;
	s0 =	simm.s32 @!p1 $0x0  }
0x14: {  	s2 =	sld [smem:$0x3F96];
	s0 =	simm.s32 @p1 $0x1  }
0x15: {  	[smem:$0x3FB3] =	sst s0;
	s0 =	simm.s32 @!p2 $0x0  }
0x16: {  	s3 =	sld [smem:$0x3FDB];
	s0 =	simm.s32 @p2 $0x1  }
0x17: {  	s4 =	simm.s32 $0x1BF5;
	[smem:$0x3FB5] =	sst s0  }
0x18: {  	s0 =	sld [smem:$0x3F98];
	_ =	swait.ge [sflag:s4], $0x0  }
0x19: {  	s7 =	sld [smem:$0x3F99]  }
0x1a: {  	s8 =	sadd.s32 $0xFFFFE003, lr  }
0x1b: {  	s9 =	sadd.s32 $0xFFFFFEF7, lr;
	s5 =	simm.s32 $0xFFFFFFFF;
	p2 =	slt.u32 s8, $0xFFFFF086  }
0x1c: {  	p1 =	slt.u32 s9, $0xF7A;
	s5 =	simm.s32 @!p2 $0x0  }
0x1d: {  	s5 =	simm.s32 @p1 $0x1;
	p0 =	seq.s32 s7, s2  }
0x1e: {  	s7 =	smul.u32 @!p0 $0xF7A, s2;
	p2 =	seq.s32 @!p0 s5, $0x0  }
0x1f: {  	s9 =	smul.u32 $0xF7A, s1;
	s8 =	simm.s32 @!p0 $0x1BF5;
	p2 =	por !p2, p0  }
0x20: {  	[sflag:s8] =	ssyncset.s32 @!p0 $0xFFFFF086;
	s6 =	sadd.s32 @!p0 s3, s7;
	s7 =	simm.s32 @!p0 $0x108  }
0x21: {  	s3 =	sadd.s32 s3, s9;
	s6 =	sadd.s32 @!p0 $0x88, s6;
	s7 =	simm.s32 @p2 $0x1082  }
0x22: {  	[simem:s7], [sflag:s8] =	dma.local @!p0 [hbm:s6], $0xF7A  }
0x23: {  	s9 =	sor.u32 $0xD0000000, s2;
	s6 =	simm.s32 $0x108;
	_ =	swait.ge @!p0 [sflag:s8], $0x0  }
0x24: {  	s3 =	sadd.s32 $0x88, s3;
	s6 =	simm.s32 @!p1 $0x1082;
	[sflag:s4] =	ssyncset.s32 $0xFFFFF086  }
0x25: {  	[simem:s6], [sflag:s4] =	dma.local [hbm:s3], $0xF7A  }
0x26: {  	[smem:$0x3F99] =	sst s1;
	(tag) =	ssettag s2;
	_ =	strace s9  }
0x27: {  	s1 =	sld [smem:$0x3FA9]  }
0x28: {  	s2 =	sld [smem:$0x3FAA]  }
0x29: {  	s4 =	sld [smem:$0x3FAC]  }
0x2a: {  	p0 =	seq.s32 s5, $0x0;
	s5 =	sld [smem:$0x3FAD]  }
0x2b: {  	s6 =	sld [smem:$0x3FAE]  }
0x2c: {  	s7 =	sld [smem:$0x3FAF]  }
0x2d: {  	s3 =	simm.s32 $0x108;
	s8 =	sld [smem:$0x3FB0]  }
0x2e: {  	s3 =	simm.s32 @!p0 $0x1082;
	s9 =	sld [smem:$0x3FB1]  }
0x2f: {  	lr =	sadd.s32 s0, s3;
	s0 =	sld [smem:$0x3FA8]  }
0x30: {  	s3 =	sld [smem:$0x3FAB]  }
0x31: {  	[smem:$0x3FB4] =	sst s10  }
0x32: {  	s10 =	sld [smem:$0x3FB2];
	_ =	sdelay $0x3  }
0x33: {  	p0 =	seq.s32 s10, $0x1;
	s10 =	sld [smem:$0x3FB4];
	_ =	sdelay $0x3  }
0x34: {  	[smem:$0x3FB4] =	sst s10  }
0x35: {  	s10 =	sld [smem:$0x3FB3];
	_ =	sdelay $0x3  }
0x36: {  	p1 =	seq.s32 s10, $0x1;
	s10 =	sld [smem:$0x3FB4];
	_ =	sdelay $0x3  }
0x37: {  	[smem:$0x3FB4] =	sst s10  }
0x38: {  	s10 =	sld [smem:$0x3FB5]  }
0x39: {  	_ = 	snop;
	(pc) =	sbr.ind lr, $3  }
0x3a: {  	_ = 	snop  }
0x3b: {  	_ = 	snop  }
0x3c: {  	p2 =	seq.s32 s10, $0x1;
	s10 =	sld [smem:$0x3FB4]  }
0x3d: {  	_ =	shalt  }
0x3e: {  	_ =	shalt  }
0x3f: {  	_ =	shalt  }
0x40: {  	_ =	shalt  }
0x41: {  	_ =	shalt  }
0x42: {  	_ =	shalt  }
0x43: {  	_ =	shalt  }
0x44: {  	_ =	shalt  }
0x45: {  	_ =	shalt  }
0x46: {  	_ =	shalt  }
0x47: {  	_ =	shalt  }
0x48: {  	_ =	shalt  }
0x49: {  	_ =	shalt  }
0x4a: {  	_ =	shalt  }
0x4b: {  	_ =	shalt  }
0x4c: {  	_ =	shalt  }
0x4d: {  	_ =	shalt  }
0x4e: {  	_ =	shalt  }
0x4f: {  	_ =	shalt  }
0x50: {  	_ =	shalt  }
0x51: {  	_ =	shalt  }
0x52: {  	_ =	shalt  }
0x53: {  	_ =	shalt  }
0x54: {  	_ =	shalt  }
0x55: {  	_ =	shalt  }
0x56: {  	_ =	shalt  }
0x57: {  	_ =	shalt  }
0x58: {  	_ =	shalt  }
0x59: {  	_ =	shalt  }
0x5a: {  	_ =	shalt  }
0x5b: {  	_ =	shalt  }
0x5c: {  	_ =	shalt  }
0x5d: {  	_ =	shalt  }
0x5e: {  	_ =	shalt  }
0x5f: {  	_ =	shalt  }
0x60: {  	_ =	shalt  }
0x61: {  	_ =	shalt  }
0x62: {  	_ =	shalt  }
0x63: {  	_ =	shalt  }
0x64: {  	_ =	shalt  }
0x65: {  	_ =	shalt  }
0x66: {  	_ =	shalt  }
0x67: {  	_ =	shalt  }
0x68: {  	_ =	shalt  }
0x69: {  	_ =	shalt  }
0x6a: {  	_ =	shalt  }
0x6b: {  	_ =	shalt  }
0x6c: {  	_ =	shalt  }
0x6d: {  	_ =	shalt  }
0x6e: {  	_ =	shalt  }
0x6f: {  	_ =	shalt  }
0x70: {  	_ =	shalt  }
0x71: {  	_ =	shalt  }
0x72: {  	_ =	shalt  }
0x73: {  	_ =	shalt  }
0x74: {  	_ =	shalt  }
0x75: {  	_ =	shalt  }
0x76: {  	_ =	shalt  }
0x77: {  	_ =	shalt  }
0x78: {  	_ =	shalt  }
0x79: {  	_ =	shalt  }
0x7a: {  	_ =	shalt  }
0x7b: {  	_ =	shalt  }
0x7c: {  	_ =	shalt  }
0x7d: {  	_ =	shalt  }
0x7e: {  	_ =	shalt  }
0x7f: {  	_ =	shalt  }
0x80: {  	_ =	shalt  }
0x81: {  	_ =	shalt  }
0x82: {  	_ =	shalt  }
0x83: {  	_ =	shalt  }
0x84: {  	_ =	shalt  }
0x85: {  	_ =	shalt  }
0x86: {  	_ =	shalt  }
0x87: {  	_ =	shalt  }
.Lfunc_end0:
.L_simem_size_0:
called_computation_lowered:
.L_overlay_start_0:
0x88: {  	s2 =	sld [smem:$0x3FD9]  }
0x89: {  	s3 =	sld [smem:$0x3FFE];
	_ =	sdelay $0x1  }
0x8a: {  	s1 =	srdreg.scid  }
0x8b: {  	s0 =	sand.u32 $0x1, s1  }
0x8c: {  	s17 =	sshll.u32 s0, $0xA;
	s2 =	sadd.s32 s3, s2  }
0x8d: {  	s2 =	sadd.s32 s2, s17  }
0x8e: {  	[smem:$0x3FC0] =	sst s2  }
0x8f: {  	_ = 	snop  }
0x90: {  	(tm) =	ssettm $0x1  }
0x91: {  	s18 =	sld [smem:$0x3FFB];
	_ =	sdelay $0x3  }
0x92: {  	_ =	strace s18  }
0x93: {  	s2 =	sld [smem:$0x3FFC];
	_ =	sdelay $0x3  }
0x94: {  	_ =	strace s2  }
0x95: {  	s2 =	sld [smem:$0x3FFD];
	_ =	sdelay $0x3  }
0x96: {  	_ =	strace s2  }
0x97: {  	_ =	strace $0x8FFFFFFF  }
0x98: {  	s19 =	sld [smem:$0x3FDB];
	_ =	sdelay $0x1  }
0x99: {  	s20 =	simm.s32 $_scs_section_size  }
0x9a: {  	s4 =	simm.s32 $_size__tile_overlayer_lowered;
	s5 =	simm.s32 $_tile_overlayer_lowered  }
0x9b: {  	s6 =	simm.s32 $0x1BFF;
	s21 =	sshll.u32 s5, $0x1;
	s3 =	sadd.s32 s20, s19  }
0x9c: {  	s22 =	simm.s32 $0x0;
	s4 =	sshll.u32 s4, $0x1;
	s5 =	sadd.s32 s21, s3  }
0x9d: {  	[timem:s22], [sflag:s6] =	dma.local [hbm:s5], s4  }
0x9e: {  	_ =	swait.ge [sflag:s6], s4  }
0x9f: {  	s4 =	ssub.s32 $0x0, s4;
	[sflag:s6] =	ssyncset.done $0x0  }
0xa0: {  	[sflag:s6] =	ssyncadd.s32 s4;
	_ =	sdelay $0x1  }
0xa1: {  	s23 =	simm.s32 $0x1B8B  }
0xa2: {  	_ =	swait.ge [sflag:s23], $0x1  }
0xa3: {  	[sflag:s23] =	ssyncset.done $0x0  }
0xa4: {  	[sflag:s23] =	ssyncadd.s32 $0xFFFFFFFF  }
0xa5: {  	s4 =	sld [smem:$0x0]  }
0xa6: {  	s5 =	sand.u32 $0xFFFFFFFE, s1  }
0xa7: {  	p0 =	sne.s32 s1, s5  }
0xa8: {  	s5 =	sshll.u32 @p0 s5, $0xE  }
0xa9: {  	s5 =	sadd.s32 @p0 $0x11B8D, s5;
	s6 =	sshll.u32 @p0 s4, $0x11  }
0xaa: {  	s5 =	sor.u32 @p0 s6, s5  }
0xab: {  	[sflag:s5] =	ssyncadd.remote.s32 @p0 $0x1;
	_ =	sdelay $0x1  }
0xac: {  	s5 =	simm.s32 @p0 $0x1B8D  }
0xad: {  	_ =	swait.eq @p0 [sflag:s5], $0x1  }
0xae: {  	[sflag:s5] =	ssyncadd.s32 @p0 $0xFFFFFFFF  }
0xaf: {  	s6 =	sshll.u32 @!p0 s1, $0xE  }
0xb0: {  	s6 =	sor.u32 @!p0 $0x4000, s6;
	s5 =	simm.s32 @!p0 $0x1B8D  }
0xb1: {  	s4 =	sshll.u32 @!p0 s4, $0x11;
	s6 =	sadd.s32 @!p0 $0x11B8D, s6;
	_ =	swait.eq @!p0 [sflag:s5], $0x1  }
0xb2: {  	s4 =	sor.u32 @!p0 s4, s6;
	[sflag:s5] =	ssyncadd.s32 @!p0 $0xFFFFFFFF  }
0xb3: {  	s25 =	simm.s32 $0x1B8E;
	s24 =	sld [smem:$0x3FFE];
	[sflag:s4] =	ssyncadd.remote.s32 @!p0 $0x1  }
0xb4: {  	s26 =	simm.s32 $execute0_lowered;
	[smem:$0x3FD2] =	sst s25  }
0xb5: {  	s5 =	sshll.u32 s26, $0x1;
	_ =	strace $0x80000049;
	[dreg:$0x1] =	wrdreg $0xFFFFFFFF  }
0xb6: {  	s28 =	simm.s32 $_size_execute0_lowered;
	s3 =	sadd.s32 s3, s5;
	[dreg:$0x0] =	wrdreg $0x0  }
0xb7: {  	s5 =	sshll.u32 s28, $0x1;
	[dreg:$0x2] =	wrdreg s3  }
0xb8: {  	[dreg:$0x3] =	wrdreg s5  }
0xb9: {  	[dreg:$0x4] =	wrdreg $0xC0  }
0xba: {  	_ =	task [dreg:s22], $0x5FFFF  }
0xbb: {  	[dreg:$0x1] =	wrdreg $0xFFFFFFFF  }
0xbc: {  	[dreg:$0x0] =	wrdreg $0x60  }
0xbd: {  	[dreg:$0x2] =	wrdreg s24  }
0xbe: {  	[dreg:$0x3] =	wrdreg $0x68000  }
0xbf: {  	[dreg:$0x4] =	wrdreg $0x9  }
0xc0: {  	_ =	task.clear_ibuf [dreg:s22], $0x5FFFF;
	_ =	strace $0x90000049  }
0xc1: {  	s29 =	simm.s32 $0x9;
	_ =	strace $0x8000004B  }
0xc2: {  	_ =	swait.ge [sflag:s29], $0x1  }
0xc3: {  	[sflag:s29] =	ssyncadd.s32 $0xFFFFFFFF  }
0xc4: {  	_ =	strace $0x9000004B  }
0xc5: {  	_ =	sfence  }
0xc6: {  	s30 =	sld [smem:$0x0];
	_ =	sdelay $0x2  }
0xc7: {  	s31 =	sshll.u32 s1, $0xD;
	s1 =	sshrl.u32 s1, $0x2  }
0xc8: {  	s4 =	sand.u32 $0x4000, s31;
	s1 =	sadd.s32 s1, s30  }
0xc9: {  	s0 =	sor.u32 s4, s0;
	s1 =	sshll.u32 s1, $0x11  }
0xca: {  	s0 =	sor.u32 s1, s0  }
0xcb: {  	s0 =	sadd.s32 $0x8F2B, s0  }
0xcc: {  	[sflag:s0] =	ssyncadd.remote.s32 $0x1  }
0xcd: {  	_ =	sfence.sel $0xFFFF  }
0xce: {  	[dreg:$0x0] =	wrdreg $0xFFFFFFFF;
	(pc) =	sbr.abs _section_cstart, $3  }
0xcf: {  	[dreg:$0x1] =	wrdreg $0xFFFFFFFF  }
0xd0: {  	_ =	task.clear_ibuf [dreg:s22], $0x2FFFF;
	_ =	strace $0x9FFFFFFF  }
0xd1: {  	(tm) =	ssettm $0x7FFFFFFF  }
tec
execute0_lowered:
.L_overlay_start_1:
0x0: {  	(tag) =	ssettag $0x1  }
0x1: {  	s4 =	rddreg [dreg:$0x0]  }
0x2: {  	s2 =	rddreg [dreg:$0x1];
	s3 =	srdreg.scid  }
0x3: {  	s0 =	rddreg [dreg:$0x2];
	s1 =	stileid.u32  }
0x4: {  	s12 =	simm.s32 $0x2800;
	s13 =	simm.s32 $0x2;
	s14 =	simm.s32 $0x80  }
0x5: {  	s15 =	simm.s32 $0x100;
	s16 =	simm.s32 $0x180;
	s17 =	simm.s32 $0x1  }
0x6: {  	s20 =	simm.s32 $0x0;
	s5 =	sand.u32 $0x1, s3;
	s8 =	smul.u32 $0x14000, s1  }
0x7: {  	s3 =	simm.s32 $0x0;
	s6 =	sshll.u32 s1, $0x1;
	s30 =	smul.u32 $0x50000, s1  }
0x8: {  	s18 =	sshll.u32 s1, $0x6;
	s7 =	smul.u32 $0x140000, s5;
	[smem:$0x7FF] =	sst s3  }
0x9: {  	s6 =	sor.u32 s5, s6;
	s5 =	ssub.s32 $0x2, s5;
	s18 =	sor.u32 $0x1C02, s18  }
0xa: {  	_ =	strace $0x8000004A;
	s6 =	smul.u32 $0x500, s6;
	s7 =	sadd.s32 s8, s7  }
0xb: {  	s9 =	sshrl.u32 s5, $0x1;
	s31 =	sshrl.u32 s30, $0x2;
	s7 =	sshrl.u32 s7, $0x3  }
0xc: {  	s9 =	ssub.s32 s5, s9;
	s6 =	sadd.s32 s6, s4;
	s7 =	sadd.s32 s7, s4  }
0xd: {  	s4 =	sadd.s32 s31, s2;
	s5 =	sadd.s32 $0x2A400, s6;
	s6 =	sadd.s32 $0x86C00, s7  }
0xe: {  	s7 =	smax.u32 s9, $0x1;
	s8 =	sadd.s32 $0x4000, s4;
	s9 =	sadd.s32 $0x8000, s4  }
0xf: {  	v0 =	vimm.f32 $0.0e+00;
	v1 =	vimm.f32 $1.000000000e+00;
	s10 =	sadd.s32 $0xC000, s4;
	s11 =	sadd.s32 $0x10000, s4;
	s19 =	sshrl.u32 s4, $0x3  }
.LBB2_1:
0x10: {  	s21 =	sand.u32 $0xFE00, s3  }
0x11: {  	s22 =	sand.u32 $0x70, s3;
	s23 =	sshrl.u32 s21, $0x2  }
0x12: {  	s21 =	simm.s32 $0x40;
	s23 =	sor.u32 s22, s23;
	s22 =	simm.s32 $0x0  }
.LBB2_2:
0x13: {  	p0 =	sne.s32 s21, $0xFFC0  }
0x14: {  	[tilespmem:s23+$0x2800] =	vst v0;
	s22 =	sadd.s32 $0x10, s22;
	s23 =	smov.u32 s21;
	s21 =	sadd.s32 $0x40, s21  }
.Ltmp0:
0x15: {  	(pc) =	sbr.rel @p0 .LBB2_2-.Ltmp0, $4  }
0x16: {  	_ = 	snop  }
0x17: {  	s23 =	sand.u32 $0xFE00, s23  }
0x18: {  	s24 =	sand.u32 $0x70, s22;
	s23 =	sshrl.u32 s23, $0x2  }
0x19: {  	s23 =	sor.u32 s24, s23  }
0x1a: {  	[tilespmem:s23+$0x2800] =	vst v0  }
0x1b: {  	[spmem:s4] =	stream.linear.scatter [tilespmem:s12], [sflag:$0x2], $0x4000, $0x38;
	[tilespmem:$0x1A800] =	vst v63  }
0x1c: {  	_ =	swait.ge [sflag:s13], $0x4000  }
0x1d: {  	[sflag:s13] =	ssyncset.done $0x0  }
0x1e: {  	[sflag:s13] =	ssyncadd.s32 $0xFFFFC000  }
0x1f: {  	[spmem:s8] =	stream.linear.scatter [tilespmem:s12], [sflag:$0x2], $0x4000, $0x38;
	[tilespmem:$0x1A800] =	vst v63  }
0x20: {  	_ =	swait.ge [sflag:s13], $0x4000  }
0x21: {  	[sflag:s13] =	ssyncset.done $0x0  }
0x22: {  	[sflag:s13] =	ssyncadd.s32 $0xFFFFC000  }
0x23: {  	[spmem:s9] =	stream.linear.scatter [tilespmem:s12], [sflag:$0x2], $0x4000, $0x38;
	[tilespmem:$0x1A800] =	vst v63  }
0x24: {  	_ =	swait.ge [sflag:s13], $0x4000  }
0x25: {  	[sflag:s13] =	ssyncset.done $0x0  }
0x26: {  	[sflag:s13] =	ssyncadd.s32 $0xFFFFC000  }
0x27: {  	[spmem:s10] =	stream.linear.scatter [tilespmem:s12], [sflag:$0x2], $0x4000, $0x38;
	[tilespmem:$0x1A800] =	vst v63  }
0x28: {  	_ =	swait.ge [sflag:s13], $0x4000  }
0x29: {  	[sflag:s13] =	ssyncset.done $0x0  }
0x2a: {  	s21 =	simm.s32 $0x0;
	[sflag:s13] =	ssyncadd.s32 $0xFFFFC000  }
0x2b: {  	[spmem:s11] =	stream.linear.scatter [tilespmem:s12], [sflag:$0x2], $0x4000, $0x38;
	[tilespmem:$0x1A800] =	vst v63  }
0x2c: {  	s22 =	sand.u32 $0xFE00, s21;
	_ =	swait.ge [sflag:s13], $0x4000  }
0x2d: {  	s31 =	sand.u32 $0x70, s21;
	s24 =	sshrl.u32 s22, $0x2;
	[sflag:s13] =	ssyncset.done $0x0  }
0x2e: {  	s22 =	simm.s32 $0x40;
	s23 =	sor.u32 s31, s24;
	[sflag:s13] =	ssyncadd.s32 $0xFFFFC000  }
.LBB2_4:
0x2f: {  	p0 =	sne.s32 s22, $0xFFC0  }
0x30: {  	[tilespmem:s23+$0x2800] =	vst v1;
	s21 =	sadd.s32 $0x10, s21;
	s23 =	smov.u32 s22;
	s22 =	sadd.s32 $0x40, s22  }
.Ltmp1:
0x31: {  	(pc) =	sbr.rel @p0 .LBB2_4-.Ltmp1, $4  }
0x32: {  	_ = 	snop  }
0x33: {  	s23 =	sand.u32 $0xFE00, s23  }
0x34: {  	s24 =	sand.u32 $0x70, s21;
	s23 =	sshrl.u32 s23, $0x2  }
0x35: {  	s23 =	sor.u32 s24, s23  }
0x36: {  	[tilespmem:s23+$0x2800] =	vst v1  }
0x37: {  	[tilespmem:s3], [sflag:$0x2] =	stream.linear.gather [hbm4b:s5+s3], $0x2800, $0x38;
	[tilespmem:$0x1A800] =	vst v63  }
0x38: {  	_ =	swait.ge [sflag:s13], $0x2800  }
0x39: {  	[sflag:s13] =	ssyncset.done $0x0  }
0x3a: {  	[sflag:s13] =	ssyncadd.s32 $0xFFFFD800  }
0x3b: {  	[bflag:$0x0] =	sbarrier.arrive $0xFFFF  }
0x3c: {  	[spmem:s2] =	stream.indirect.scatter.add.f32 [tilespmem:s12], [sflag:$0x1], $0x80, s3, s14, $0xb8;
	[tilespmem:$0x1A800] =	vst v63  }
0x3d: {  	_ = 	snop  }
0x3e: {  	[spmem:s2] =	stream.indirect.scatter.add.f32 [tilespmem:s12], [sflag:$0x1], $0x80, s14, s14, $0xb8;
	[tilespmem:$0x1A800] =	vst v63  }
0x3f: {  	_ = 	snop  }
0x40: {  	[spmem:s2] =	stream.indirect.scatter.add.f32 [tilespmem:s12], [sflag:$0x1], $0x80, s15, s14, $0xb8;
	[tilespmem:$0x1A800] =	vst v63  }
0x41: {  	_ = 	snop  }
0x42: {  	[spmem:s2] =	stream.indirect.scatter.add.f32 [tilespmem:s12], [sflag:$0x1], $0x80, s16, s14, $0xb8;
	[tilespmem:$0x1A800] =	vst v63  }
0x43: {  	s21 =	simm.s32 $0x200  }
0x44: {  	[spmem:s2] =	stream.indirect.scatter.add.f32 [tilespmem:s12], [sflag:$0x1], $0x80, s21, s14, $0xb8;
	[tilespmem:$0x1A800] =	vst v63  }
0x45: {  	_ =	swait.ge [sflag:s17], $0x4000  }
0x46: {  	s21 =	simm.s32 $0xA00;
	[sflag:s17] =	ssyncset.done $0x0  }
.LBB2_6:
0x47: {  	s22 =	sshra.s32 s21, $0x2;
	[sflag:s17] =	ssyncadd.s32 $0xFFFFC000;
	p0 =	sne.s32 s21, $0x9E00  }
0x48: {  	[spmem:s2] =	stream.indirect.scatter.add.f32 [tilespmem:s12], [sflag:$0x1], $0x80, s22, s14, $0xb8;
	[tilespmem:$0x1A800] =	vst v63  }
.Ltmp2:
0x49: {  	_ = 	snop;
	(pc) =	sbr.rel @p0 .LBB2_6-.Ltmp2, $4  }
0x4a: {  	_ = 	snop  }
0x4b: {  	s21 =	sadd.s32 $0x200, s21  }
0x4c: {  	_ =	swait.ge [sflag:s17], $0x4000  }
0x4d: {  	[sflag:s17] =	ssyncset.done $0x0  }
0x4e: {  	[sflag:s17] =	ssyncadd.s32 $0xFFFFC000  }
0x4f: {  	_ =	swait.ge [sflag:s17], $0x4000  }
0x50: {  	[sflag:s17] =	ssyncset.done $0x0  }
0x51: {  	[sflag:s17] =	ssyncadd.s32 $0xFFFFC000  }
0x52: {  	_ =	swait.ge [sflag:s17], $0x4000  }
0x53: {  	[sflag:s17] =	ssyncset.done $0x0  }
0x54: {  	[sflag:s17] =	ssyncadd.s32 $0xFFFFC000  }
0x55: {  	_ =	swait.ge [sflag:s17], $0x4000  }
0x56: {  	[sflag:s17] =	ssyncset.done $0x0  }
0x57: {  	[sflag:s17] =	ssyncadd.s32 $0xFFFFC000  }
0x58: {  	_ =	swait.ge [sflag:s17], $0x4000  }
0x59: {  	s20 =	sadd.s32 $0x1, s20;
	[sflag:s17] =	ssyncset.done $0x0  }
0x5a: {  	p0 =	sne.s32 s20, s7;
	[sflag:s17] =	ssyncadd.s32 $0xFFFFC000  }
.Ltmp3:
0x5b: {  	[bflag:$0x0] =	sbarrier.arrive $0xFFFF;
	(pc) =	sbr.rel @p0 .LBB2_1-.Ltmp3, $4  }
0x5c: {  	[hbm:s6], [sflag:s18] =	dma.local [spmem:s19], $0x2800  }
0x5d: {  	_ =	swait.ge [sflag:s13], $0x2800  }
0x5e: {  	[sflag:s13] =	ssyncset.done $0x0  }
0x5f: {  	[sflag:s13] =	ssyncadd.s32 $0xFFFFD800  }
0x60: {  	_ =	sfence.sel $0x180000  }
0x61: {  	[bflag:$0x0] =	sbarrier.arrive $0xFFFF  }
0x62: {  	p0 =	sne.s32 s1, $0x0;
	_ =	strace $0x9000004A  }
0x63: {  	s0 =	sadd.s32 @!p0 $0x100000, s0;
	[bflag:$0x2] =	sbarrier.arrive $0xFFFF  }
0x64: {  	[sflag:s0] =	ssyncadd.tile.s32 @!p0 $0x1;
	_ =	shalt  }
.Lfunc_end2:
_tile_overlayer_lowered:
.L_overlay_start_2:
0x65: {  	(tag) =	ssettag $0x2  }
0x66: {  	s0 =	rddreg [dreg:$0x0];
	s2 =	stileid.u32  }
0x67: {  	s1 =	rddreg [dreg:$0x1];
	p0 =	sne.s32 s2, $0x0  }
0x68: {  	s3 =	rddreg [dreg:$0x2];
	[bflag:$0x3] =	sbarrier.arrive $0xFFFF;
	s2 =	simm.s32 @!p0 $0x1C02  }
0x69: {  	[timem:s3], [sflag:s2] =	dma.local @!p0 [hbm:s0], s1  }
0x6a: {  	s0 =	simm.s32 @!p0 $0x2  }
0x6b: {  	_ =	swait.ge @!p0 [sflag:s0], s1  }
0x6c: {  	s1 =	ssub.s32 @!p0 $0x0, s1;
	[sflag:s0] =	ssyncset.done @!p0 $0x0  }
0x6d: {  	[sflag:s0] =	ssyncadd.s32 @!p0 s1  }
0x6e: {  	[bflag:$0x3] =	sbarrier.arrive $0xFFFF  }
0x6f: {  	_ =	shalt  }

</sc_bundles>
